<compile_context>
chip_gen: v7x
topology: tpu7x:2x2x1
jax: 0.10.2.dev20260603
libtpu: 0.0.44.dev20260713+nightly
codegen_flags: <defaults>
</compile_context>

<pallas_src>
import functools

import jax
import jax.numpy as jnp
from jax import lax
from jax.experimental import pallas as pl
from jax.experimental.pallas import tpu as pltpu
from jax.experimental.pallas import tpu_sc as plsc

D = 64
VOCAB = 25
NPAIR = 640
NW = 32
CHUNK = 128
K = 2


def _pair_table_body(emb_ref, pt_ref, wp_ref, bp_ref, wj_ref, bj_ref,
                     x_ref, out_ref, idx_ref):
    b, s = x_ref.shape
    x3 = x_ref[...].reshape(b, s // 128, 128)
    pid = x3[:, :, :D] * VOCAB + x3[:, :, D:]
    idx_ref[...] = pid.reshape((b * s) // 128, D)
    rt = (((1,), (1,)), ((), ()))
    prop = lax.dot_general(pt_ref[...], wp_ref[...], rt,
                           preferred_element_type=jnp.float32) + bp_ref[...]
    combined = jnp.concatenate([emb_ref[...], prop], axis=-1)
    fused = lax.dot_general(combined, wj_ref[...], rt,
                            preferred_element_type=jnp.float32) + bj_ref[...]
    p = lax.broadcasted_iota(jnp.int32, (NPAIR, VOCAB), 0)
    v = lax.broadcasted_iota(jnp.int32, (NPAIR, VOCAB), 1)
    left = (p // VOCAB == v).astype(jnp.float32)
    right = (p % VOCAB == v).astype(jnp.float32)
    out_ref[...] = jnp.concatenate(
        [jnp.dot(left, fused, preferred_element_type=jnp.float32,
                 precision=lax.Precision.HIGHEST),
         jnp.dot(right, fused, preferred_element_type=jnp.float32,
                 precision=lax.Precision.HIGHEST)], axis=-1)


def _build_prologue(emb_table, property_table, Wp, bp, Wj, bj, x):
    b, s = x.shape
    return pl.pallas_call(
        _pair_table_body,
        out_shape=(jax.ShapeDtypeStruct((NPAIR, 2 * D), jnp.float32),
                   jax.ShapeDtypeStruct(((b * s) // 128, D), jnp.int32)),
    )(emb_table, property_table, Wp, bp.reshape(1, D), Wj,
      bj.reshape(1, D), x)


@functools.cache
def _make_gather(n_pair):
    per_w = n_pair // NW
    n_chunks = per_w // CHUNK
    n_phases = n_chunks // K
    mesh = plsc.VectorSubcoreMesh(core_axis_name="c", subcore_axis_name="s")

    @functools.partial(
        pl.kernel, mesh=mesh,
        compiler_params=pltpu.CompilerParams(use_tc_tiling_on_sc=True),
        out_type=jax.ShapeDtypeStruct((n_pair, 2 * D), jnp.float32),
        scratch_types=[
            pltpu.VMEM((n_chunks, CHUNK), jnp.int32),
            pltpu.VMEM((2, K, CHUNK, 2 * D), jnp.float32),
            pltpu.VMEM_SHARED((NPAIR, 2 * D), jnp.float32),
            pltpu.SemaphoreType.DMA,
            pltpu.SemaphoreType.DMA,
            pltpu.SemaphoreType.DMA,
            pltpu.SemaphoreType.DMA,
        ],
    )
    def gather(table_hbm, idx_hbm, out_hbm, idx_v, rows_v, table_sh,
               g0, g1, o0, o1):
        wid = lax.axis_index("s") * 2 + lax.axis_index("c")
        base = wid * per_w
        @pl.when(lax.axis_index("s") == 0)
        def _():
            pltpu.sync_copy(table_hbm, table_sh)

        pltpu.sync_copy(idx_hbm.at[pl.ds(wid * n_chunks, n_chunks), :], idx_v)
        plsc.subcore_barrier()
        gsems = (g0, g1)
        osems = (o0, o1)

        def g_copy(p, h, c):
            j = p * K + c
            return pltpu.make_async_copy(
                table_sh.at[idx_v.at[j]], rows_v.at[h].at[c], gsems[h])

        def o_copy(p, h, c):
            j = p * K + c
            return pltpu.make_async_copy(
                rows_v.at[h].at[c],
                out_hbm.at[pl.ds(base + j * CHUNK, CHUNK), :], osems[h])

        def fire_g(p, h):
            for c in range(K):
                g_copy(p, h, c).start()

        def wait_g(p, h):
            for c in range(K):
                g_copy(p, h, c).wait()

        def fire_o(p, h):
            for c in range(K):
                o_copy(p, h, c).start()

        def wait_o(p, h):
            for c in range(K):
                o_copy(p, h, c).wait()

        fire_g(0, 0)
        wait_g(0, 0)
        fire_o(0, 0)
        fire_g(1, 1)

        def body(i, carry):
            p0 = 2 * i + 1
            wait_g(p0, 1)
            fire_o(p0, 1)
            wait_o(p0 - 1, 0)
            fire_g(p0 + 1, 0)
            p1 = p0 + 1
            wait_g(p1, 0)
            fire_o(p1, 0)
            wait_o(p1 - 1, 1)
            fire_g(p1 + 1, 1)
            return carry

        lax.fori_loop(0, (n_phases - 2) // 2, body, 0)

        p = n_phases - 1
        wait_g(p, 1)
        fire_o(p, 1)
        wait_o(p - 1, 0)
        wait_o(p, 1)

    return gather


def _unpack_body(sel_ref, in_ref, out_ref):
    sel = sel_ref[...]

    def split(a):
        hi = a.astype(jnp.bfloat16)
        lo = (a - hi.astype(jnp.float32)).astype(jnp.bfloat16)
        return hi, lo

    for t in range(TILES_PER_CELL):
        blk = in_ref[pl.ds(t * D, D), :]
        a_hi, a_lo = split(blk[:, :D])
        b_hi, b_lo = split(blk[:, D:])
        m = jnp.concatenate([a_hi, a_lo, b_hi, b_lo], axis=0)
        out_ref[0, :, pl.ds(t * 128, 128)] = lax.dot_general(
            m, sel, (((0,), (0,)), ((), ())),
            preferred_element_type=jnp.float32)


TILES_PER_CELL = 16


def _unpack(pairs, b, s):
    eye = jnp.eye(D, dtype=jnp.bfloat16)
    zero = jnp.zeros((D, D), dtype=jnp.bfloat16)
    left = jnp.concatenate([eye, eye, zero, zero], axis=0)
    right = jnp.concatenate([zero, zero, eye, eye], axis=0)
    sel = jnp.concatenate([left, right], axis=1)
    scells = (s // 128) // TILES_PER_CELL
    return pl.pallas_call(
        _unpack_body,
        grid=(b, scells),
        compiler_params=pltpu.CompilerParams(
            fuse_transposed_lhs_in_matmul=True,
            dimension_semantics=("parallel", "parallel")),
        in_specs=[pl.BlockSpec((4 * D, 2 * D), lambda i, j: (0, 0)),
                  pl.BlockSpec((TILES_PER_CELL * D, 2 * D),
                               lambda i, j: (i * scells + j, 0))],
        out_specs=pl.BlockSpec((1, D, TILES_PER_CELL * 128),
                               lambda i, j: (i, 0, j)),
        out_shape=jax.ShapeDtypeStruct((b, D, s), jnp.float32),
    )(sel, pairs)


def kernel(x, emb_table, Wp, bp, Wj, bj, property_table):
    b, s = x.shape
    n_pair = (b * s) // 2
    pair_table, pidx = _build_prologue(
        emb_table, property_table, Wp, bp, Wj, bj, x.astype(jnp.int32))
    pairs = _make_gather(n_pair)(pair_table, pidx.reshape(n_pair // 128, 128))
    out_t = _unpack(pairs, b, s)
    return out_t.transpose(0, 2, 1)

# --- scband reference (transcript-rebuilt; emitter-appended) ---
"""Pipeline reference for scband-combined-embedding-72627896975876 (READ-ONLY COPY).

The authoritative reference and input builder live on the scoring server;
editing this copy changes nothing except your own understanding.
"""

import jax, jax.numpy as jnp
import numpy as np

VOCAB = 25
D_MODEL = 64
PROP_DIM = 4
BATCH = 64
SEQ = 2048


def _make_property_table():
    i = np.arange(VOCAB, dtype=np.float32)
    tab = np.stack([i * 0.1, i * 0.05, 1.0 - 0.03 * i, ((i % 5) - 2) * 0.2], axis=1)
    return jnp.asarray(tab, dtype=jnp.float32)


def setup_inputs(seed: int = 0) -> dict:
    key = jax.random.key(seed)
    ks = jax.random.split(key, 6)
    x = jax.random.randint(ks[0], (BATCH, SEQ), 0, VOCAB, dtype=jnp.int64 if jax.config.read('jax_enable_x64') else jnp.int32)
    emb_table = jax.random.normal(ks[1], (VOCAB, D_MODEL), dtype=jnp.float32)
    # torch nn.Linear(property_dim, d_model): weight [d_model, prop_dim], bias [d_model]
    Wp = jax.random.normal(ks[2], (D_MODEL, PROP_DIM), dtype=jnp.float32) * 0.5
    bp = jax.random.normal(ks[3], (D_MODEL,), dtype=jnp.float32) * 0.1
    # torch nn.Linear(2*d_model, d_model): weight [d_model, 2*d_model], bias [d_model]
    Wj = jax.random.normal(ks[4], (D_MODEL, 2 * D_MODEL), dtype=jnp.float32) * (1.0 / np.sqrt(2 * D_MODEL))
    bj = jax.random.normal(ks[5], (D_MODEL,), dtype=jnp.float32) * 0.1
    property_table = _make_property_table()
    return {"x": x, "emb_table": emb_table, "Wp": Wp, "bp": bp, "Wj": Wj, "bj": bj, "property_table": property_table}


def reference(x, emb_table, Wp, bp, Wj, bj, property_table):
    # emb = self.emb(x)
    emb = jnp.take(emb_table, x, axis=0)  # [B, S, d_model]
    # prop = self.prop_linear(self.property_table[x])
    prop_feats = jnp.take(property_table, x, axis=0)  # [B, S, 4]
    prop = prop_feats @ Wp.T + bp  # [B, S, d_model]
    # combined = torch.cat([emb, prop], dim=-1)
    combined = jnp.concatenate([emb, prop], axis=-1)  # [B, S, 2*d_model]
    # out = self.proj(combined)
    out = combined @ Wj.T + bj  # [B, S, d_model]
    return out

if __name__ == "__main__":
    import jax
    _d = setup_inputs()
    print(jax.jit(kernel)(*tuple(_d.values())))

</pallas_src>

<mosaic_0001>
#map = affine_map<(d0, d1) -> (0, 0)>
module attributes {stable_mosaic.version = 14 : i64} {
  func.func @gather(%arg0: i32, %arg1: i32, %arg2: memref<640x128xf32, #tpu.memory_space<hbm>>, %arg3: memref<512x128xi32, #tpu.memory_space<hbm>>, %arg4: memref<65536x128xf32, #tpu.memory_space<hbm>>, %arg5: memref<16x128xi32, #tpu.memory_space<vmem>>, %arg6: memref<2x2x128x128xf32, #tpu.memory_space<vmem>>, %arg7: memref<640x128xf32, #tpu.memory_space<vmem_shared>>, %arg8: memref<!tpu.dma_semaphore, #tpu.memory_space<semaphore_mem>>, %arg9: memref<!tpu.dma_semaphore, #tpu.memory_space<semaphore_mem>>, %arg10: memref<!tpu.dma_semaphore, #tpu.memory_space<semaphore_mem>>, %arg11: memref<!tpu.dma_semaphore, #tpu.memory_space<semaphore_mem>>) attributes {dimension_semantics = [#tpu.dimension_semantics<core_parallel>, #tpu.dimension_semantics<subcore_parallel>], iteration_bounds = array<i64: 2, 16>, scalar_prefetch = 0 : i64, scratch_operands = 7 : i64, tpu.core_type = #tpu.core_type<sc_vector_subcore>, window_params = [{transform_indices = #map}, {transform_indices = #map}, {transform_indices = #map}]} {
    %mul3A = arith.constant 2 : i32
    %mul3A_0 = arith.muli %arg1, %mul3A : i32
    %add3A = arith.addi %mul3A_0, %arg0 : i32
    %mul3A_1 = arith.constant 2048 : i32
    %mul3A_2 = arith.muli %add3A, %mul3A_1 : i32
    %eq3A = arith.constant 0 : i32
    %eq3A_3 = arith.cmpi eq, %arg1, %eq3A : i32
    %convert_element_type3A = arith.extui %eq3A_3 : i1 to i32
    %cond3A = arith.constant 0 : i32
    %cond3A_4 = arith.cmpi ne, %convert_element_type3A, %cond3A : i32
    scf.if %cond3A_4 {
      "tpu.region"() ({
        %run_scoped3A = tpu.sem_alloc : memref<!tpu.dma_semaphore, #tpu.memory_space<semaphore_mem>>
        tpu.enqueue_dma source(%arg2 : memref<640x128xf32, #tpu.memory_space<hbm>>) target(%arg7 : memref<640x128xf32, #tpu.memory_space<vmem_shared>>) target_semaphore(%run_scoped3A : memref<!tpu.dma_semaphore, #tpu.memory_space<semaphore_mem>>)
        tpu.wait_dma2 semaphore(%run_scoped3A : memref<!tpu.dma_semaphore, #tpu.memory_space<semaphore_mem>>) src(%arg2 : memref<640x128xf32, #tpu.memory_space<hbm>>) dst(%arg7 : memref<640x128xf32, #tpu.memory_space<vmem_shared>>)
        tpu.yield
      }) : () -> ()
    } else {
    }
    %mul3A_5 = arith.constant 16 : i32
    %mul3A_6 = arith.muli %add3A, %mul3A_5 : i32
    "tpu.region"() ({
      %run_scoped3A = tpu.sem_alloc : memref<!tpu.dma_semaphore, #tpu.memory_space<semaphore_mem>>
      %dma_start3A_362 = arith.constant 0 : i32
      %dma_start3A_363 = tpu.memref_slice %arg3[%mul3A_6, %dma_start3A_362] : memref<512x128xi32, #tpu.memory_space<hbm>> -> memref<16x128xi32, #tpu.memory_space<hbm>>
      %dma_start3A_364 = arith.constant 0 : i32
      %dma_start3A_365 = tpu.memref_slice %arg3[%mul3A_6, %dma_start3A_364] : memref<512x128xi32, #tpu.memory_space<hbm>> -> memref<16x128xi32, #tpu.memory_space<hbm>>
      tpu.enqueue_dma source(%dma_start3A_365 : memref<16x128xi32, #tpu.memory_space<hbm>>) target(%arg5 : memref<16x128xi32, #tpu.memory_space<vmem>>) target_semaphore(%run_scoped3A : memref<!tpu.dma_semaphore, #tpu.memory_space<semaphore_mem>>)
      %dma_wait3A_366 = arith.constant 0 : i32
      %dma_wait3A_367 = tpu.memref_slice %arg3[%mul3A_6, %dma_wait3A_366] : memref<512x128xi32, #tpu.memory_space<hbm>> -> memref<16x128xi32, #tpu.memory_space<hbm>>
      %dma_wait3A_368 = arith.constant 0 : i32
      %dma_wait3A_369 = tpu.memref_slice %arg3[%mul3A_6, %dma_wait3A_368] : memref<512x128xi32, #tpu.memory_space<hbm>> -> memref<16x128xi32, #tpu.memory_space<hbm>>
      tpu.wait_dma2 semaphore(%run_scoped3A : memref<!tpu.dma_semaphore, #tpu.memory_space<semaphore_mem>>) src(%dma_wait3A_369 : memref<16x128xi32, #tpu.memory_space<hbm>>) dst(%arg5 : memref<16x128xi32, #tpu.memory_space<vmem>>)
      tpu.yield
    }) : () -> ()
    %barrier3A = arith.constant 0 : index
    tpu.barrier barrier_id(%barrier3A)
    %dma_start3A = arith.constant 0 : i32
    %dma_start3A_7 = arith.constant 0 : i32
    %dma_start3A_8 = arith.constant 0 : i32
    %dma_start3A_9 = arith.constant 0 : i32
    %dma_start3A_10 = arith.constant 0 : i32
    %dma_start3A_11 = arith.constant 0 : i32
    %dma_start3A_12 = tpu.memref_slice %arg6[%dma_start3A_7, %dma_start3A_9, %dma_start3A_10, %dma_start3A_11] : memref<2x2x128x128xf32, #tpu.memory_space<vmem>> -> memref<1x2x128x128xf32, #tpu.memory_space<vmem>>
    %dma_start3A_13 = tpu.memref_squeeze %dma_start3A_12 : memref<1x2x128x128xf32, #tpu.memory_space<vmem>> -> memref<2x128x128xf32, #tpu.memory_space<vmem>>
    %dma_start3A_14 = arith.constant 0 : i32
    %dma_start3A_15 = arith.constant 0 : i32
    %dma_start3A_16 = tpu.memref_slice %dma_start3A_13[%dma_start3A_8, %dma_start3A_14, %dma_start3A_15] : memref<2x128x128xf32, #tpu.memory_space<vmem>> -> memref<1x128x128xf32, #tpu.memory_space<vmem>>
    %dma_start3A_17 = tpu.memref_squeeze %dma_start3A_16 : memref<1x128x128xf32, #tpu.memory_space<vmem>> -> memref<128x128xf32, #tpu.memory_space<vmem>>
    %dma_start3A_18 = arith.constant 0 : i32
    %dma_start3A_19 = tpu.memref_slice %arg5[%dma_start3A, %dma_start3A_18] : memref<16x128xi32, #tpu.memory_space<vmem>> -> memref<1x128xi32, #tpu.memory_space<vmem>>
    %dma_start3A_20 = tpu.memref_squeeze %dma_start3A_19 : memref<1x128xi32, #tpu.memory_space<vmem>> -> memref<128xi32, #tpu.memory_space<vmem>>
    %dma_start3A_21 = arith.constant 0 : i32
    %dma_start3A_22 = arith.constant 0 : i32
    %dma_start3A_23 = tpu.memref_slice %arg7[%dma_start3A_21, %dma_start3A_22] : memref<640x128xf32, #tpu.memory_space<vmem_shared>> -> memref<640x128xf32, #tpu.memory_space<vmem_shared>>
    tpu.enqueue_indirect_dma source(%dma_start3A_23 : memref<640x128xf32, #tpu.memory_space<vmem_shared>>) target(%dma_start3A_17 : memref<128x128xf32, #tpu.memory_space<vmem>>) offsets(%dma_start3A_20 : memref<128xi32, #tpu.memory_space<vmem>>) semaphore(%arg8 : memref<!tpu.dma_semaphore, #tpu.memory_space<semaphore_mem>>)
    %dma_start3A_24 = arith.constant 1 : i32
    %dma_start3A_25 = arith.constant 0 : i32
    %dma_start3A_26 = arith.constant 1 : i32
    %dma_start3A_27 = arith.constant 0 : i32
    %dma_start3A_28 = arith.constant 0 : i32
    %dma_start3A_29 = arith.constant 0 : i32
    %dma_start3A_30 = tpu.memref_slice %arg6[%dma_start3A_25, %dma_start3A_27, %dma_start3A_28, %dma_start3A_29] : memref<2x2x128x128xf32, #tpu.memory_space<vmem>> -> memref<1x2x128x128xf32, #tpu.memory_space<vmem>>
    %dma_start3A_31 = tpu.memref_squeeze %dma_start3A_30 : memref<1x2x128x128xf32, #tpu.memory_space<vmem>> -> memref<2x128x128xf32, #tpu.memory_space<vmem>>
    %dma_start3A_32 = arith.constant 0 : i32
    %dma_start3A_33 = arith.constant 0 : i32
    %dma_start3A_34 = tpu.memref_slice %dma_start3A_31[%dma_start3A_26, %dma_start3A_32, %dma_start3A_33] : memref<2x128x128xf32, #tpu.memory_space<vmem>> -> memref<1x128x128xf32, #tpu.memory_space<vmem>>
    %dma_start3A_35 = tpu.memref_squeeze %dma_start3A_34 : memref<1x128x128xf32, #tpu.memory_space<vmem>> -> memref<128x128xf32, #tpu.memory_space<vmem>>
    %dma_start3A_36 = arith.constant 0 : i32
    %dma_start3A_37 = tpu.memref_slice %arg5[%dma_start3A_24, %dma_start3A_36] : memref<16x128xi32, #tpu.memory_space<vmem>> -> memref<1x128xi32, #tpu.memory_space<vmem>>
    %dma_start3A_38 = tpu.memref_squeeze %dma_start3A_37 : memref<1x128xi32, #tpu.memory_space<vmem>> -> memref<128xi32, #tpu.memory_space<vmem>>
    %dma_start3A_39 = arith.constant 0 : i32
    %dma_start3A_40 = arith.constant 0 : i32
    %dma_start3A_41 = tpu.memref_slice %arg7[%dma_start3A_39, %dma_start3A_40] : memref<640x128xf32, #tpu.memory_space<vmem_shared>> -> memref<640x128xf32, #tpu.memory_space<vmem_shared>>
    tpu.enqueue_indirect_dma source(%dma_start3A_41 : memref<640x128xf32, #tpu.memory_space<vmem_shared>>) target(%dma_start3A_35 : memref<128x128xf32, #tpu.memory_space<vmem>>) offsets(%dma_start3A_38 : memref<128xi32, #tpu.memory_space<vmem>>) semaphore(%arg8 : memref<!tpu.dma_semaphore, #tpu.memory_space<semaphore_mem>>)
    %dma_wait3A = arith.constant 0 : i32
    %dma_wait3A_42 = arith.constant 0 : i32
    %dma_wait3A_43 = arith.constant 0 : i32
    %dma_wait3A_44 = arith.constant 0 : i32
    %dma_wait3A_45 = arith.constant 0 : i32
    %dma_wait3A_46 = arith.constant 0 : i32
    %dma_wait3A_47 = tpu.memref_slice %arg6[%dma_wait3A_42, %dma_wait3A_44, %dma_wait3A_45, %dma_wait3A_46] : memref<2x2x128x128xf32, #tpu.memory_space<vmem>> -> memref<1x2x128x128xf32, #tpu.memory_space<vmem>>
    %dma_wait3A_48 = tpu.memref_squeeze %dma_wait3A_47 : memref<1x2x128x128xf32, #tpu.memory_space<vmem>> -> memref<2x128x128xf32, #tpu.memory_space<vmem>>
    %dma_wait3A_49 = arith.constant 0 : i32
    %dma_wait3A_50 = arith.constant 0 : i32
    %dma_wait3A_51 = tpu.memref_slice %dma_wait3A_48[%dma_wait3A_43, %dma_wait3A_49, %dma_wait3A_50] : memref<2x128x128xf32, #tpu.memory_space<vmem>> -> memref<1x128x128xf32, #tpu.memory_space<vmem>>
    %dma_wait3A_52 = tpu.memref_squeeze %dma_wait3A_51 : memref<1x128x128xf32, #tpu.memory_space<vmem>> -> memref<128x128xf32, #tpu.memory_space<vmem>>
    %dma_wait3A_53 = arith.constant 0 : i32
    %dma_wait3A_54 = tpu.memref_slice %arg5[%dma_wait3A, %dma_wait3A_53] : memref<16x128xi32, #tpu.memory_space<vmem>> -> memref<1x128xi32, #tpu.memory_space<vmem>>
    %dma_wait3A_55 = tpu.memref_squeeze %dma_wait3A_54 : memref<1x128xi32, #tpu.memory_space<vmem>> -> memref<128xi32, #tpu.memory_space<vmem>>
    %dma_wait3A_56 = arith.constant 0 : i32
    %dma_wait3A_57 = arith.constant 0 : i32
    %dma_wait3A_58 = tpu.memref_slice %arg7[%dma_wait3A_56, %dma_wait3A_57] : memref<640x128xf32, #tpu.memory_space<vmem_shared>> -> memref<640x128xf32, #tpu.memory_space<vmem_shared>>
    tpu.wait_indirect_dma semaphore(%arg8 : memref<!tpu.dma_semaphore, #tpu.memory_space<semaphore_mem>>) src(%dma_wait3A_58 : memref<640x128xf32, #tpu.memory_space<vmem_shared>>) dst(%dma_wait3A_52 : memref<128x128xf32, #tpu.memory_space<vmem>>)
    %dma_wait3A_59 = arith.constant 1 : i32
    %dma_wait3A_60 = arith.constant 0 : i32
    %dma_wait3A_61 = arith.constant 1 : i32
    %dma_wait3A_62 = arith.constant 0 : i32
    %dma_wait3A_63 = arith.constant 0 : i32
    %dma_wait3A_64 = arith.constant 0 : i32
    %dma_wait3A_65 = tpu.memref_slice %arg6[%dma_wait3A_60, %dma_wait3A_62, %dma_wait3A_63, %dma_wait3A_64] : memref<2x2x128x128xf32, #tpu.memory_space<vmem>> -> memref<1x2x128x128xf32, #tpu.memory_space<vmem>>
    %dma_wait3A_66 = tpu.memref_squeeze %dma_wait3A_65 : memref<1x2x128x128xf32, #tpu.memory_space<vmem>> -> memref<2x128x128xf32, #tpu.memory_space<vmem>>
    %dma_wait3A_67 = arith.constant 0 : i32
    %dma_wait3A_68 = arith.constant 0 : i32
    %dma_wait3A_69 = tpu.memref_slice %dma_wait3A_66[%dma_wait3A_61, %dma_wait3A_67, %dma_wait3A_68] : memref<2x128x128xf32, #tpu.memory_space<vmem>> -> memref<1x128x128xf32, #tpu.memory_space<vmem>>
    %dma_wait3A_70 = tpu.memref_squeeze %dma_wait3A_69 : memref<1x128x128xf32, #tpu.memory_space<vmem>> -> memref<128x128xf32, #tpu.memory_space<vmem>>
    %dma_wait3A_71 = arith.constant 0 : i32
    %dma_wait3A_72 = tpu.memref_slice %arg5[%dma_wait3A_59, %dma_wait3A_71] : memref<16x128xi32, #tpu.memory_space<vmem>> -> memref<1x128xi32, #tpu.memory_space<vmem>>
    %dma_wait3A_73 = tpu.memref_squeeze %dma_wait3A_72 : memref<1x128xi32, #tpu.memory_space<vmem>> -> memref<128xi32, #tpu.memory_space<vmem>>
    %dma_wait3A_74 = arith.constant 0 : i32
    %dma_wait3A_75 = arith.constant 0 : i32
    %dma_wait3A_76 = tpu.memref_slice %arg7[%dma_wait3A_74, %dma_wait3A_75] : memref<640x128xf32, #tpu.memory_space<vmem_shared>> -> memref<640x128xf32, #tpu.memory_space<vmem_shared>>
    tpu.wait_indirect_dma semaphore(%arg8 : memref<!tpu.dma_semaphore, #tpu.memory_space<semaphore_mem>>) src(%dma_wait3A_76 : memref<640x128xf32, #tpu.memory_space<vmem_shared>>) dst(%dma_wait3A_70 : memref<128x128xf32, #tpu.memory_space<vmem>>)
    %add3A_77 = arith.constant 0 : i32
    %add3A_78 = arith.addi %mul3A_2, %add3A_77 : i32
    %dma_start3A_79 = arith.constant 0 : i32
    %dma_start3A_80 = arith.constant 0 : i32
    %dma_start3A_81 = arith.constant 0 : i32
    %dma_start3A_82 = arith.constant 0 : i32
    %dma_start3A_83 = arith.constant 0 : i32
    %dma_start3A_84 = tpu.memref_slice %arg6[%dma_start3A_79, %dma_start3A_81, %dma_start3A_82, %dma_start3A_83] : memref<2x2x128x128xf32, #tpu.memory_space<vmem>> -> memref<1x2x128x128xf32, #tpu.memory_space<vmem>>
    %dma_start3A_85 = tpu.memref_squeeze %dma_start3A_84 : memref<1x2x128x128xf32, #tpu.memory_space<vmem>> -> memref<2x128x128xf32, #tpu.memory_space<vmem>>
    %dma_start3A_86 = arith.constant 0 : i32
    %dma_start3A_87 = arith.constant 0 : i32
    %dma_start3A_88 = tpu.memref_slice %dma_start3A_85[%dma_start3A_80, %dma_start3A_86, %dma_start3A_87] : memref<2x128x128xf32, #tpu.memory_space<vmem>> -> memref<1x128x128xf32, #tpu.memory_space<vmem>>
    %dma_start3A_89 = tpu.memref_squeeze %dma_start3A_88 : memref<1x128x128xf32, #tpu.memory_space<vmem>> -> memref<128x128xf32, #tpu.memory_space<vmem>>
    %dma_start3A_90 = arith.constant 0 : i32
    %dma_start3A_91 = tpu.memref_slice %arg4[%add3A_78, %dma_start3A_90] : memref<65536x128xf32, #tpu.memory_space<hbm>> -> memref<128x128xf32, #tpu.memory_space<hbm>>
    %dma_start3A_92 = arith.constant 0 : i32
    %dma_start3A_93 = tpu.memref_slice %arg4[%add3A_78, %dma_start3A_92] : memref<65536x128xf32, #tpu.memory_space<hbm>> -> memref<128x128xf32, #tpu.memory_space<hbm>>
    %dma_start3A_94 = arith.constant 0 : i32
    %dma_start3A_95 = arith.constant 0 : i32
    %dma_start3A_96 = arith.constant 0 : i32
    %dma_start3A_97 = tpu.memref_slice %arg6[%dma_start3A_79, %dma_start3A_94, %dma_start3A_95, %dma_start3A_96] : memref<2x2x128x128xf32, #tpu.memory_space<vmem>> -> memref<1x2x128x128xf32, #tpu.memory_space<vmem>>
    %dma_start3A_98 = tpu.memref_squeeze %dma_start3A_97 : memref<1x2x128x128xf32, #tpu.memory_space<vmem>> -> memref<2x128x128xf32, #tpu.memory_space<vmem>>
    %dma_start3A_99 = arith.constant 0 : i32
    %dma_start3A_100 = arith.constant 0 : i32
    %dma_start3A_101 = tpu.memref_slice %dma_start3A_98[%dma_start3A_80, %dma_start3A_99, %dma_start3A_100] : memref<2x128x128xf32, #tpu.memory_space<vmem>> -> memref<1x128x128xf32, #tpu.memory_space<vmem>>
    %dma_start3A_102 = tpu.memref_squeeze %dma_start3A_101 : memref<1x128x128xf32, #tpu.memory_space<vmem>> -> memref<128x128xf32, #tpu.memory_space<vmem>>
    tpu.enqueue_dma source(%dma_start3A_102 : memref<128x128xf32, #tpu.memory_space<vmem>>) target(%dma_start3A_93 : memref<128x128xf32, #tpu.memory_space<hbm>>) target_semaphore(%arg10 : memref<!tpu.dma_semaphore, #tpu.memory_space<semaphore_mem>>)
    %add3A_103 = arith.constant 128 : i32
    %add3A_104 = arith.addi %mul3A_2, %add3A_103 : i32
    %dma_start3A_105 = arith.constant 0 : i32
    %dma_start3A_106 = arith.constant 1 : i32
    %dma_start3A_107 = arith.constant 0 : i32
    %dma_start3A_108 = arith.constant 0 : i32
    %dma_start3A_109 = arith.constant 0 : i32
    %dma_start3A_110 = tpu.memref_slice %arg6[%dma_start3A_105, %dma_start3A_107, %dma_start3A_108, %dma_start3A_109] : memref<2x2x128x128xf32, #tpu.memory_space<vmem>> -> memref<1x2x128x128xf32, #tpu.memory_space<vmem>>
    %dma_start3A_111 = tpu.memref_squeeze %dma_start3A_110 : memref<1x2x128x128xf32, #tpu.memory_space<vmem>> -> memref<2x128x128xf32, #tpu.memory_space<vmem>>
    %dma_start3A_112 = arith.constant 0 : i32
    %dma_start3A_113 = arith.constant 0 : i32
    %dma_start3A_114 = tpu.memref_slice %dma_start3A_111[%dma_start3A_106, %dma_start3A_112, %dma_start3A_113] : memref<2x128x128xf32, #tpu.memory_space<vmem>> -> memref<1x128x128xf32, #tpu.memory_space<vmem>>
    %dma_start3A_115 = tpu.memref_squeeze %dma_start3A_114 : memref<1x128x128xf32, #tpu.memory_space<vmem>> -> memref<128x128xf32, #tpu.memory_space<vmem>>
    %dma_start3A_116 = arith.constant 0 : i32
    %dma_start3A_117 = tpu.memref_slice %arg4[%add3A_104, %dma_start3A_116] : memref<65536x128xf32, #tpu.memory_space<hbm>> -> memref<128x128xf32, #tpu.memory_space<hbm>>
    %dma_start3A_118 = arith.constant 0 : i32
    %dma_start3A_119 = tpu.memref_slice %arg4[%add3A_104, %dma_start3A_118] : memref<65536x128xf32, #tpu.memory_space<hbm>> -> memref<128x128xf32, #tpu.memory_space<hbm>>
    %dma_start3A_120 = arith.constant 0 : i32
    %dma_start3A_121 = arith.constant 0 : i32
    %dma_start3A_122 = arith.constant 0 : i32
    %dma_start3A_123 = tpu.memref_slice %arg6[%dma_start3A_105, %dma_start3A_120, %dma_start3A_121, %dma_start3A_122] : memref<2x2x128x128xf32, #tpu.memory_space<vmem>> -> memref<1x2x128x128xf32, #tpu.memory_space<vmem>>
    %dma_start3A_124 = tpu.memref_squeeze %dma_start3A_123 : memref<1x2x128x128xf32, #tpu.memory_space<vmem>> -> memref<2x128x128xf32, #tpu.memory_space<vmem>>
    %dma_start3A_125 = arith.constant 0 : i32
    %dma_start3A_126 = arith.constant 0 : i32
    %dma_start3A_127 = tpu.memref_slice %dma_start3A_124[%dma_start3A_106, %dma_start3A_125, %dma_start3A_126] : memref<2x128x128xf32, #tpu.memory_space<vmem>> -> memref<1x128x128xf32, #tpu.memory_space<vmem>>
    %dma_start3A_128 = tpu.memref_squeeze %dma_start3A_127 : memref<1x128x128xf32, #tpu.memory_space<vmem>> -> memref<128x128xf32, #tpu.memory_space<vmem>>
    tpu.enqueue_dma source(%dma_start3A_128 : memref<128x128xf32, #tpu.memory_space<vmem>>) target(%dma_start3A_119 : memref<128x128xf32, #tpu.memory_space<hbm>>) target_semaphore(%arg10 : memref<!tpu.dma_semaphore, #tpu.memory_space<semaphore_mem>>)
    %dma_start3A_129 = arith.constant 2 : i32
    %dma_start3A_130 = arith.constant 1 : i32
    %dma_start3A_131 = arith.constant 0 : i32
    %dma_start3A_132 = arith.constant 0 : i32
    %dma_start3A_133 = arith.constant 0 : i32
    %dma_start3A_134 = arith.constant 0 : i32
    %dma_start3A_135 = tpu.memref_slice %arg6[%dma_start3A_130, %dma_start3A_132, %dma_start3A_133, %dma_start3A_134] : memref<2x2x128x128xf32, #tpu.memory_space<vmem>> -> memref<1x2x128x128xf32, #tpu.memory_space<vmem>>
    %dma_start3A_136 = tpu.memref_squeeze %dma_start3A_135 : memref<1x2x128x128xf32, #tpu.memory_space<vmem>> -> memref<2x128x128xf32, #tpu.memory_space<vmem>>
    %dma_start3A_137 = arith.constant 0 : i32
    %dma_start3A_138 = arith.constant 0 : i32
    %dma_start3A_139 = tpu.memref_slice %dma_start3A_136[%dma_start3A_131, %dma_start3A_137, %dma_start3A_138] : memref<2x128x128xf32, #tpu.memory_space<vmem>> -> memref<1x128x128xf32, #tpu.memory_space<vmem>>
    %dma_start3A_140 = tpu.memref_squeeze %dma_start3A_139 : memref<1x128x128xf32, #tpu.memory_space<vmem>> -> memref<128x128xf32, #tpu.memory_space<vmem>>
    %dma_start3A_141 = arith.constant 0 : i32
    %dma_start3A_142 = tpu.memref_slice %arg5[%dma_start3A_129, %dma_start3A_141] : memref<16x128xi32, #tpu.memory_space<vmem>> -> memref<1x128xi32, #tpu.memory_space<vmem>>
    %dma_start3A_143 = tpu.memref_squeeze %dma_start3A_142 : memref<1x128xi32, #tpu.memory_space<vmem>> -> memref<128xi32, #tpu.memory_space<vmem>>
    %dma_start3A_144 = arith.constant 0 : i32
    %dma_start3A_145 = arith.constant 0 : i32
    %dma_start3A_146 = tpu.memref_slice %arg7[%dma_start3A_144, %dma_start3A_145] : memref<640x128xf32, #tpu.memory_space<vmem_shared>> -> memref<640x128xf32, #tpu.memory_space<vmem_shared>>
    tpu.enqueue_indirect_dma source(%dma_start3A_146 : memref<640x128xf32, #tpu.memory_space<vmem_shared>>) target(%dma_start3A_140 : memref<128x128xf32, #tpu.memory_space<vmem>>) offsets(%dma_start3A_143 : memref<128xi32, #tpu.memory_space<vmem>>) semaphore(%arg9 : memref<!tpu.dma_semaphore, #tpu.memory_space<semaphore_mem>>)
    %dma_start3A_147 = arith.constant 3 : i32
    %dma_start3A_148 = arith.constant 1 : i32
    %dma_start3A_149 = arith.constant 1 : i32
    %dma_start3A_150 = arith.constant 0 : i32
    %dma_start3A_151 = arith.constant 0 : i32
    %dma_start3A_152 = arith.constant 0 : i32
    %dma_start3A_153 = tpu.memref_slice %arg6[%dma_start3A_148, %dma_start3A_150, %dma_start3A_151, %dma_start3A_152] : memref<2x2x128x128xf32, #tpu.memory_space<vmem>> -> memref<1x2x128x128xf32, #tpu.memory_space<vmem>>
    %dma_start3A_154 = tpu.memref_squeeze %dma_start3A_153 : memref<1x2x128x128xf32, #tpu.memory_space<vmem>> -> memref<2x128x128xf32, #tpu.memory_space<vmem>>
    %dma_start3A_155 = arith.constant 0 : i32
    %dma_start3A_156 = arith.constant 0 : i32
    %dma_start3A_157 = tpu.memref_slice %dma_start3A_154[%dma_start3A_149, %dma_start3A_155, %dma_start3A_156] : memref<2x128x128xf32, #tpu.memory_space<vmem>> -> memref<1x128x128xf32, #tpu.memory_space<vmem>>
    %dma_start3A_158 = tpu.memref_squeeze %dma_start3A_157 : memref<1x128x128xf32, #tpu.memory_space<vmem>> -> memref<128x128xf32, #tpu.memory_space<vmem>>
    %dma_start3A_159 = arith.constant 0 : i32
    %dma_start3A_160 = tpu.memref_slice %arg5[%dma_start3A_147, %dma_start3A_159] : memref<16x128xi32, #tpu.memory_space<vmem>> -> memref<1x128xi32, #tpu.memory_space<vmem>>
    %dma_start3A_161 = tpu.memref_squeeze %dma_start3A_160 : memref<1x128xi32, #tpu.memory_space<vmem>> -> memref<128xi32, #tpu.memory_space<vmem>>
    %dma_start3A_162 = arith.constant 0 : i32
    %dma_start3A_163 = arith.constant 0 : i32
    %dma_start3A_164 = tpu.memref_slice %arg7[%dma_start3A_162, %dma_start3A_163] : memref<640x128xf32, #tpu.memory_space<vmem_shared>> -> memref<640x128xf32, #tpu.memory_space<vmem_shared>>
    tpu.enqueue_indirect_dma source(%dma_start3A_164 : memref<640x128xf32, #tpu.memory_space<vmem_shared>>) target(%dma_start3A_158 : memref<128x128xf32, #tpu.memory_space<vmem>>) offsets(%dma_start3A_161 : memref<128xi32, #tpu.memory_space<vmem>>) semaphore(%arg9 : memref<!tpu.dma_semaphore, #tpu.memory_space<semaphore_mem>>)
    %scan3A = arith.constant 0 : i32
    %scan3A_165 = arith.constant 0 : i32
    %scan3A_166 = arith.constant 3 : i32
    %scan3A_167 = arith.addi %scan3A_165, %scan3A_166 : i32
    %scan3A_168 = arith.constant 1 : i32
    scf.for %scan3A_362 = %scan3A_165 to %scan3A_167 step %scan3A_168  : i32 {
      %mul3A_363 = arith.constant 2 : i32
      %mul3A_364 = arith.muli %mul3A_363, %scan3A_362 : i32
      %add3A_365 = arith.constant 1 : i32
      %add3A_366 = arith.addi %mul3A_364, %add3A_365 : i32
      %mul3A_367 = arith.constant 2 : i32
      %mul3A_368 = arith.muli %add3A_366, %mul3A_367 : i32
      %add3A_369 = arith.constant 0 : i32
      %add3A_370 = arith.addi %mul3A_368, %add3A_369 : i32
      %dma_wait3A_371 = arith.constant 1 : i32
      %dma_wait3A_372 = arith.constant 0 : i32
      %dma_wait3A_373 = arith.constant 0 : i32
      %dma_wait3A_374 = arith.constant 0 : i32
      %dma_wait3A_375 = arith.constant 0 : i32
      %dma_wait3A_376 = tpu.memref_slice %arg6[%dma_wait3A_371, %dma_wait3A_373, %dma_wait3A_374, %dma_wait3A_375] : memref<2x2x128x128xf32, #tpu.memory_space<vmem>> -> memref<1x2x128x128xf32, #tpu.memory_space<vmem>>
      %dma_wait3A_377 = tpu.memref_squeeze %dma_wait3A_376 : memref<1x2x128x128xf32, #tpu.memory_space<vmem>> -> memref<2x128x128xf32, #tpu.memory_space<vmem>>
      %dma_wait3A_378 = arith.constant 0 : i32
      %dma_wait3A_379 = arith.constant 0 : i32
      %dma_wait3A_380 = tpu.memref_slice %dma_wait3A_377[%dma_wait3A_372, %dma_wait3A_378, %dma_wait3A_379] : memref<2x128x128xf32, #tpu.memory_space<vmem>> -> memref<1x128x128xf32, #tpu.memory_space<vmem>>
      %dma_wait3A_381 = tpu.memref_squeeze %dma_wait3A_380 : memref<1x128x128xf32, #tpu.memory_space<vmem>> -> memref<128x128xf32, #tpu.memory_space<vmem>>
      %dma_wait3A_382 = arith.constant 0 : i32
      %dma_wait3A_383 = tpu.memref_slice %arg5[%add3A_370, %dma_wait3A_382] : memref<16x128xi32, #tpu.memory_space<vmem>> -> memref<1x128xi32, #tpu.memory_space<vmem>>
      %dma_wait3A_384 = tpu.memref_squeeze %dma_wait3A_383 : memref<1x128xi32, #tpu.memory_space<vmem>> -> memref<128xi32, #tpu.memory_space<vmem>>
      %dma_wait3A_385 = arith.constant 0 : i32
      %dma_wait3A_386 = arith.constant 0 : i32
      %dma_wait3A_387 = tpu.memref_slice %arg7[%dma_wait3A_385, %dma_wait3A_386] : memref<640x128xf32, #tpu.memory_space<vmem_shared>> -> memref<640x128xf32, #tpu.memory_space<vmem_shared>>
      tpu.wait_indirect_dma semaphore(%arg9 : memref<!tpu.dma_semaphore, #tpu.memory_space<semaphore_mem>>) src(%dma_wait3A_387 : memref<640x128xf32, #tpu.memory_space<vmem_shared>>) dst(%dma_wait3A_381 : memref<128x128xf32, #tpu.memory_space<vmem>>)
      %mul3A_388 = arith.constant 2 : i32
      %mul3A_389 = arith.muli %add3A_366, %mul3A_388 : i32
      %add3A_390 = arith.constant 1 : i32
      %add3A_391 = arith.addi %mul3A_389, %add3A_390 : i32
      %dma_wait3A_392 = arith.constant 1 : i32
      %dma_wait3A_393 = arith.constant 1 : i32
      %dma_wait3A_394 = arith.constant 0 : i32
      %dma_wait3A_395 = arith.constant 0 : i32
      %dma_wait3A_396 = arith.constant 0 : i32
      %dma_wait3A_397 = tpu.memref_slice %arg6[%dma_wait3A_392, %dma_wait3A_394, %dma_wait3A_395, %dma_wait3A_396] : memref<2x2x128x128xf32, #tpu.memory_space<vmem>> -> memref<1x2x128x128xf32, #tpu.memory_space<vmem>>
      %dma_wait3A_398 = tpu.memref_squeeze %dma_wait3A_397 : memref<1x2x128x128xf32, #tpu.memory_space<vmem>> -> memref<2x128x128xf32, #tpu.memory_space<vmem>>
      %dma_wait3A_399 = arith.constant 0 : i32
      %dma_wait3A_400 = arith.constant 0 : i32
      %dma_wait3A_401 = tpu.memref_slice %dma_wait3A_398[%dma_wait3A_393, %dma_wait3A_399, %dma_wait3A_400] : memref<2x128x128xf32, #tpu.memory_space<vmem>> -> memref<1x128x128xf32, #tpu.memory_space<vmem>>
      %dma_wait3A_402 = tpu.memref_squeeze %dma_wait3A_401 : memref<1x128x128xf32, #tpu.memory_space<vmem>> -> memref<128x128xf32, #tpu.memory_space<vmem>>
      %dma_wait3A_403 = arith.constant 0 : i32
      %dma_wait3A_404 = tpu.memref_slice %arg5[%add3A_391, %dma_wait3A_403] : memref<16x128xi32, #tpu.memory_space<vmem>> -> memref<1x128xi32, #tpu.memory_space<vmem>>
      %dma_wait3A_405 = tpu.memref_squeeze %dma_wait3A_404 : memref<1x128xi32, #tpu.memory_space<vmem>> -> memref<128xi32, #tpu.memory_space<vmem>>
      %dma_wait3A_406 = arith.constant 0 : i32
      %dma_wait3A_407 = arith.constant 0 : i32
      %dma_wait3A_408 = tpu.memref_slice %arg7[%dma_wait3A_406, %dma_wait3A_407] : memref<640x128xf32, #tpu.memory_space<vmem_shared>> -> memref<640x128xf32, #tpu.memory_space<vmem_shared>>
      tpu.wait_indirect_dma semaphore(%arg9 : memref<!tpu.dma_semaphore, #tpu.memory_space<semaphore_mem>>) src(%dma_wait3A_408 : memref<640x128xf32, #tpu.memory_space<vmem_shared>>) dst(%dma_wait3A_402 : memref<128x128xf32, #tpu.memory_space<vmem>>)
      %mul3A_409 = arith.constant 2 : i32
      %mul3A_410 = arith.muli %add3A_366, %mul3A_409 : i32
      %add3A_411 = arith.constant 0 : i32
      %add3A_412 = arith.addi %mul3A_410, %add3A_411 : i32
      %mul3A_413 = arith.constant 128 : i32
      %mul3A_414 = arith.muli %add3A_412, %mul3A_413 : i32
      %add3A_415 = arith.addi %mul3A_2, %mul3A_414 : i32
      %dma_start3A_416 = arith.constant 1 : i32
      %dma_start3A_417 = arith.constant 0 : i32
      %dma_start3A_418 = arith.constant 0 : i32
      %dma_start3A_419 = arith.constant 0 : i32
      %dma_start3A_420 = arith.constant 0 : i32
      %dma_start3A_421 = tpu.memref_slice %arg6[%dma_start3A_416, %dma_start3A_418, %dma_start3A_419, %dma_start3A_420] : memref<2x2x128x128xf32, #tpu.memory_space<vmem>> -> memref<1x2x128x128xf32, #tpu.memory_space<vmem>>
      %dma_start3A_422 = tpu.memref_squeeze %dma_start3A_421 : memref<1x2x128x128xf32, #tpu.memory_space<vmem>> -> memref<2x128x128xf32, #tpu.memory_space<vmem>>
      %dma_start3A_423 = arith.constant 0 : i32
      %dma_start3A_424 = arith.constant 0 : i32
      %dma_start3A_425 = tpu.memref_slice %dma_start3A_422[%dma_start3A_417, %dma_start3A_423, %dma_start3A_424] : memref<2x128x128xf32, #tpu.memory_space<vmem>> -> memref<1x128x128xf32, #tpu.memory_space<vmem>>
      %dma_start3A_426 = tpu.memref_squeeze %dma_start3A_425 : memref<1x128x128xf32, #tpu.memory_space<vmem>> -> memref<128x128xf32, #tpu.memory_space<vmem>>
      %dma_start3A_427 = arith.constant 0 : i32
      %dma_start3A_428 = tpu.memref_slice %arg4[%add3A_415, %dma_start3A_427] : memref<65536x128xf32, #tpu.memory_space<hbm>> -> memref<128x128xf32, #tpu.memory_space<hbm>>
      %dma_start3A_429 = arith.constant 0 : i32
      %dma_start3A_430 = tpu.memref_slice %arg4[%add3A_415, %dma_start3A_429] : memref<65536x128xf32, #tpu.memory_space<hbm>> -> memref<128x128xf32, #tpu.memory_space<hbm>>
      %dma_start3A_431 = arith.constant 0 : i32
      %dma_start3A_432 = arith.constant 0 : i32
      %dma_start3A_433 = arith.constant 0 : i32
      %dma_start3A_434 = tpu.memref_slice %arg6[%dma_start3A_416, %dma_start3A_431, %dma_start3A_432, %dma_start3A_433] : memref<2x2x128x128xf32, #tpu.memory_space<vmem>> -> memref<1x2x128x128xf32, #tpu.memory_space<vmem>>
      %dma_start3A_435 = tpu.memref_squeeze %dma_start3A_434 : memref<1x2x128x128xf32, #tpu.memory_space<vmem>> -> memref<2x128x128xf32, #tpu.memory_space<vmem>>
      %dma_start3A_436 = arith.constant 0 : i32
      %dma_start3A_437 = arith.constant 0 : i32
      %dma_start3A_438 = tpu.memref_slice %dma_start3A_435[%dma_start3A_417, %dma_start3A_436, %dma_start3A_437] : memref<2x128x128xf32, #tpu.memory_space<vmem>> -> memref<1x128x128xf32, #tpu.memory_space<vmem>>
      %dma_start3A_439 = tpu.memref_squeeze %dma_start3A_438 : memref<1x128x128xf32, #tpu.memory_space<vmem>> -> memref<128x128xf32, #tpu.memory_space<vmem>>
      tpu.enqueue_dma source(%dma_start3A_439 : memref<128x128xf32, #tpu.memory_space<vmem>>) target(%dma_start3A_430 : memref<128x128xf32, #tpu.memory_space<hbm>>) target_semaphore(%arg11 : memref<!tpu.dma_semaphore, #tpu.memory_space<semaphore_mem>>)
      %mul3A_440 = arith.constant 2 : i32
      %mul3A_441 = arith.muli %add3A_366, %mul3A_440 : i32
      %add3A_442 = arith.constant 1 : i32
      %add3A_443 = arith.addi %mul3A_441, %add3A_442 : i32
      %mul3A_444 = arith.constant 128 : i32
      %mul3A_445 = arith.muli %add3A_443, %mul3A_444 : i32
      %add3A_446 = arith.addi %mul3A_2, %mul3A_445 : i32
      %dma_start3A_447 = arith.constant 1 : i32
      %dma_start3A_448 = arith.constant 1 : i32
      %dma_start3A_449 = arith.constant 0 : i32
      %dma_start3A_450 = arith.constant 0 : i32
      %dma_start3A_451 = arith.constant 0 : i32
      %dma_start3A_452 = tpu.memref_slice %arg6[%dma_start3A_447, %dma_start3A_449, %dma_start3A_450, %dma_start3A_451] : memref<2x2x128x128xf32, #tpu.memory_space<vmem>> -> memref<1x2x128x128xf32, #tpu.memory_space<vmem>>
      %dma_start3A_453 = tpu.memref_squeeze %dma_start3A_452 : memref<1x2x128x128xf32, #tpu.memory_space<vmem>> -> memref<2x128x128xf32, #tpu.memory_space<vmem>>
      %dma_start3A_454 = arith.constant 0 : i32
      %dma_start3A_455 = arith.constant 0 : i32
      %dma_start3A_456 = tpu.memref_slice %dma_start3A_453[%dma_start3A_448, %dma_start3A_454, %dma_start3A_455] : memref<2x128x128xf32, #tpu.memory_space<vmem>> -> memref<1x128x128xf32, #tpu.memory_space<vmem>>
      %dma_start3A_457 = tpu.memref_squeeze %dma_start3A_456 : memref<1x128x128xf32, #tpu.memory_space<vmem>> -> memref<128x128xf32, #tpu.memory_space<vmem>>
      %dma_start3A_458 = arith.constant 0 : i32
      %dma_start3A_459 = tpu.memref_slice %arg4[%add3A_446, %dma_start3A_458] : memref<65536x128xf32, #tpu.memory_space<hbm>> -> memref<128x128xf32, #tpu.memory_space<hbm>>
      %dma_start3A_460 = arith.constant 0 : i32
      %dma_start3A_461 = tpu.memref_slice %arg4[%add3A_446, %dma_start3A_460] : memref<65536x128xf32, #tpu.memory_space<hbm>> -> memref<128x128xf32, #tpu.memory_space<hbm>>
      %dma_start3A_462 = arith.constant 0 : i32
      %dma_start3A_463 = arith.constant 0 : i32
      %dma_start3A_464 = arith.constant 0 : i32
      %dma_start3A_465 = tpu.memref_slice %arg6[%dma_start3A_447, %dma_start3A_462, %dma_start3A_463, %dma_start3A_464] : memref<2x2x128x128xf32, #tpu.memory_space<vmem>> -> memref<1x2x128x128xf32, #tpu.memory_space<vmem>>
      %dma_start3A_466 = tpu.memref_squeeze %dma_start3A_465 : memref<1x2x128x128xf32, #tpu.memory_space<vmem>> -> memref<2x128x128xf32, #tpu.memory_space<vmem>>
      %dma_start3A_467 = arith.constant 0 : i32
      %dma_start3A_468 = arith.constant 0 : i32
      %dma_start3A_469 = tpu.memref_slice %dma_start3A_466[%dma_start3A_448, %dma_start3A_467, %dma_start3A_468] : memref<2x128x128xf32, #tpu.memory_space<vmem>> -> memref<1x128x128xf32, #tpu.memory_space<vmem>>
      %dma_start3A_470 = tpu.memref_squeeze %dma_start3A_469 : memref<1x128x128xf32, #tpu.memory_space<vmem>> -> memref<128x128xf32, #tpu.memory_space<vmem>>
      tpu.enqueue_dma source(%dma_start3A_470 : memref<128x128xf32, #tpu.memory_space<vmem>>) target(%dma_start3A_461 : memref<128x128xf32, #tpu.memory_space<hbm>>) target_semaphore(%arg11 : memref<!tpu.dma_semaphore, #tpu.memory_space<semaphore_mem>>)
      %sub3A = arith.constant 1 : i32
      %sub3A_471 = arith.subi %add3A_366, %sub3A : i32
      %mul3A_472 = arith.constant 2 : i32
      %mul3A_473 = arith.muli %sub3A_471, %mul3A_472 : i32
      %add3A_474 = arith.constant 0 : i32
      %add3A_475 = arith.addi %mul3A_473, %add3A_474 : i32
      %mul3A_476 = arith.constant 128 : i32
      %mul3A_477 = arith.muli %add3A_475, %mul3A_476 : i32
      %add3A_478 = arith.addi %mul3A_2, %mul3A_477 : i32
      %dma_wait3A_479 = arith.constant 0 : i32
      %dma_wait3A_480 = arith.constant 0 : i32
      %dma_wait3A_481 = arith.constant 0 : i32
      %dma_wait3A_482 = arith.constant 0 : i32
      %dma_wait3A_483 = arith.constant 0 : i32
      %dma_wait3A_484 = tpu.memref_slice %arg6[%dma_wait3A_479, %dma_wait3A_481, %dma_wait3A_482, %dma_wait3A_483] : memref<2x2x128x128xf32, #tpu.memory_space<vmem>> -> memref<1x2x128x128xf32, #tpu.memory_space<vmem>>
      %dma_wait3A_485 = tpu.memref_squeeze %dma_wait3A_484 : memref<1x2x128x128xf32, #tpu.memory_space<vmem>> -> memref<2x128x128xf32, #tpu.memory_space<vmem>>
      %dma_wait3A_486 = arith.constant 0 : i32
      %dma_wait3A_487 = arith.constant 0 : i32
      %dma_wait3A_488 = tpu.memref_slice %dma_wait3A_485[%dma_wait3A_480, %dma_wait3A_486, %dma_wait3A_487] : memref<2x128x128xf32, #tpu.memory_space<vmem>> -> memref<1x128x128xf32, #tpu.memory_space<vmem>>
      %dma_wait3A_489 = tpu.memref_squeeze %dma_wait3A_488 : memref<1x128x128xf32, #tpu.memory_space<vmem>> -> memref<128x128xf32, #tpu.memory_space<vmem>>
      %dma_wait3A_490 = arith.constant 0 : i32
      %dma_wait3A_491 = tpu.memref_slice %arg4[%add3A_478, %dma_wait3A_490] : memref<65536x128xf32, #tpu.memory_space<hbm>> -> memref<128x128xf32, #tpu.memory_space<hbm>>
      %dma_wait3A_492 = arith.constant 0 : i32
      %dma_wait3A_493 = tpu.memref_slice %arg4[%add3A_478, %dma_wait3A_492] : memref<65536x128xf32, #tpu.memory_space<hbm>> -> memref<128x128xf32, #tpu.memory_space<hbm>>
      %dma_wait3A_494 = arith.constant 0 : i32
      %dma_wait3A_495 = arith.constant 0 : i32
      %dma_wait3A_496 = arith.constant 0 : i32
      %dma_wait3A_497 = tpu.memref_slice %arg6[%dma_wait3A_479, %dma_wait3A_494, %dma_wait3A_495, %dma_wait3A_496] : memref<2x2x128x128xf32, #tpu.memory_space<vmem>> -> memref<1x2x128x128xf32, #tpu.memory_space<vmem>>
      %dma_wait3A_498 = tpu.memref_squeeze %dma_wait3A_497 : memref<1x2x128x128xf32, #tpu.memory_space<vmem>> -> memref<2x128x128xf32, #tpu.memory_space<vmem>>
      %dma_wait3A_499 = arith.constant 0 : i32
      %dma_wait3A_500 = arith.constant 0 : i32
      %dma_wait3A_501 = tpu.memref_slice %dma_wait3A_498[%dma_wait3A_480, %dma_wait3A_499, %dma_wait3A_500] : memref<2x128x128xf32, #tpu.memory_space<vmem>> -> memref<1x128x128xf32, #tpu.memory_space<vmem>>
      %dma_wait3A_502 = tpu.memref_squeeze %dma_wait3A_501 : memref<1x128x128xf32, #tpu.memory_space<vmem>> -> memref<128x128xf32, #tpu.memory_space<vmem>>
      tpu.wait_dma2 semaphore(%arg10 : memref<!tpu.dma_semaphore, #tpu.memory_space<semaphore_mem>>) src(%dma_wait3A_502 : memref<128x128xf32, #tpu.memory_space<vmem>>) dst(%dma_wait3A_493 : memref<128x128xf32, #tpu.memory_space<hbm>>)
      %mul3A_503 = arith.constant 2 : i32
      %mul3A_504 = arith.muli %sub3A_471, %mul3A_503 : i32
      %add3A_505 = arith.constant 1 : i32
      %add3A_506 = arith.addi %mul3A_504, %add3A_505 : i32
      %mul3A_507 = arith.constant 128 : i32
      %mul3A_508 = arith.muli %add3A_506, %mul3A_507 : i32
      %add3A_509 = arith.addi %mul3A_2, %mul3A_508 : i32
      %dma_wait3A_510 = arith.constant 0 : i32
      %dma_wait3A_511 = arith.constant 1 : i32
      %dma_wait3A_512 = arith.constant 0 : i32
      %dma_wait3A_513 = arith.constant 0 : i32
      %dma_wait3A_514 = arith.constant 0 : i32
      %dma_wait3A_515 = tpu.memref_slice %arg6[%dma_wait3A_510, %dma_wait3A_512, %dma_wait3A_513, %dma_wait3A_514] : memref<2x2x128x128xf32, #tpu.memory_space<vmem>> -> memref<1x2x128x128xf32, #tpu.memory_space<vmem>>
      %dma_wait3A_516 = tpu.memref_squeeze %dma_wait3A_515 : memref<1x2x128x128xf32, #tpu.memory_space<vmem>> -> memref<2x128x128xf32, #tpu.memory_space<vmem>>
      %dma_wait3A_517 = arith.constant 0 : i32
      %dma_wait3A_518 = arith.constant 0 : i32
      %dma_wait3A_519 = tpu.memref_slice %dma_wait3A_516[%dma_wait3A_511, %dma_wait3A_517, %dma_wait3A_518] : memref<2x128x128xf32, #tpu.memory_space<vmem>> -> memref<1x128x128xf32, #tpu.memory_space<vmem>>
      %dma_wait3A_520 = tpu.memref_squeeze %dma_wait3A_519 : memref<1x128x128xf32, #tpu.memory_space<vmem>> -> memref<128x128xf32, #tpu.memory_space<vmem>>
      %dma_wait3A_521 = arith.constant 0 : i32
      %dma_wait3A_522 = tpu.memref_slice %arg4[%add3A_509, %dma_wait3A_521] : memref<65536x128xf32, #tpu.memory_space<hbm>> -> memref<128x128xf32, #tpu.memory_space<hbm>>
      %dma_wait3A_523 = arith.constant 0 : i32
      %dma_wait3A_524 = tpu.memref_slice %arg4[%add3A_509, %dma_wait3A_523] : memref<65536x128xf32, #tpu.memory_space<hbm>> -> memref<128x128xf32, #tpu.memory_space<hbm>>
      %dma_wait3A_525 = arith.constant 0 : i32
      %dma_wait3A_526 = arith.constant 0 : i32
      %dma_wait3A_527 = arith.constant 0 : i32
      %dma_wait3A_528 = tpu.memref_slice %arg6[%dma_wait3A_510, %dma_wait3A_525, %dma_wait3A_526, %dma_wait3A_527] : memref<2x2x128x128xf32, #tpu.memory_space<vmem>> -> memref<1x2x128x128xf32, #tpu.memory_space<vmem>>
      %dma_wait3A_529 = tpu.memref_squeeze %dma_wait3A_528 : memref<1x2x128x128xf32, #tpu.memory_space<vmem>> -> memref<2x128x128xf32, #tpu.memory_space<vmem>>
      %dma_wait3A_530 = arith.constant 0 : i32
      %dma_wait3A_531 = arith.constant 0 : i32
      %dma_wait3A_532 = tpu.memref_slice %dma_wait3A_529[%dma_wait3A_511, %dma_wait3A_530, %dma_wait3A_531] : memref<2x128x128xf32, #tpu.memory_space<vmem>> -> memref<1x128x128xf32, #tpu.memory_space<vmem>>
      %dma_wait3A_533 = tpu.memref_squeeze %dma_wait3A_532 : memref<1x128x128xf32, #tpu.memory_space<vmem>> -> memref<128x128xf32, #tpu.memory_space<vmem>>
      tpu.wait_dma2 semaphore(%arg10 : memref<!tpu.dma_semaphore, #tpu.memory_space<semaphore_mem>>) src(%dma_wait3A_533 : memref<128x128xf32, #tpu.memory_space<vmem>>) dst(%dma_wait3A_524 : memref<128x128xf32, #tpu.memory_space<hbm>>)
      %add3A_534 = arith.constant 1 : i32
      %add3A_535 = arith.addi %add3A_366, %add3A_534 : i32
      %mul3A_536 = arith.constant 2 : i32
      %mul3A_537 = arith.muli %add3A_535, %mul3A_536 : i32
      %add3A_538 = arith.constant 0 : i32
      %add3A_539 = arith.addi %mul3A_537, %add3A_538 : i32
      %dma_start3A_540 = arith.constant 0 : i32
      %dma_start3A_541 = arith.constant 0 : i32
      %dma_start3A_542 = arith.constant 0 : i32
      %dma_start3A_543 = arith.constant 0 : i32
      %dma_start3A_544 = arith.constant 0 : i32
      %dma_start3A_545 = tpu.memref_slice %arg6[%dma_start3A_540, %dma_start3A_542, %dma_start3A_543, %dma_start3A_544] : memref<2x2x128x128xf32, #tpu.memory_space<vmem>> -> memref<1x2x128x128xf32, #tpu.memory_space<vmem>>
      %dma_start3A_546 = tpu.memref_squeeze %dma_start3A_545 : memref<1x2x128x128xf32, #tpu.memory_space<vmem>> -> memref<2x128x128xf32, #tpu.memory_space<vmem>>
      %dma_start3A_547 = arith.constant 0 : i32
      %dma_start3A_548 = arith.constant 0 : i32
      %dma_start3A_549 = tpu.memref_slice %dma_start3A_546[%dma_start3A_541, %dma_start3A_547, %dma_start3A_548] : memref<2x128x128xf32, #tpu.memory_space<vmem>> -> memref<1x128x128xf32, #tpu.memory_space<vmem>>
      %dma_start3A_550 = tpu.memref_squeeze %dma_start3A_549 : memref<1x128x128xf32, #tpu.memory_space<vmem>> -> memref<128x128xf32, #tpu.memory_space<vmem>>
      %dma_start3A_551 = arith.constant 0 : i32
      %dma_start3A_552 = tpu.memref_slice %arg5[%add3A_539, %dma_start3A_551] : memref<16x128xi32, #tpu.memory_space<vmem>> -> memref<1x128xi32, #tpu.memory_space<vmem>>
      %dma_start3A_553 = tpu.memref_squeeze %dma_start3A_552 : memref<1x128xi32, #tpu.memory_space<vmem>> -> memref<128xi32, #tpu.memory_space<vmem>>
      %dma_start3A_554 = arith.constant 0 : i32
      %dma_start3A_555 = arith.constant 0 : i32
      %dma_start3A_556 = tpu.memref_slice %arg7[%dma_start3A_554, %dma_start3A_555] : memref<640x128xf32, #tpu.memory_space<vmem_shared>> -> memref<640x128xf32, #tpu.memory_space<vmem_shared>>
      tpu.enqueue_indirect_dma source(%dma_start3A_556 : memref<640x128xf32, #tpu.memory_space<vmem_shared>>) target(%dma_start3A_550 : memref<128x128xf32, #tpu.memory_space<vmem>>) offsets(%dma_start3A_553 : memref<128xi32, #tpu.memory_space<vmem>>) semaphore(%arg8 : memref<!tpu.dma_semaphore, #tpu.memory_space<semaphore_mem>>)
      %mul3A_557 = arith.constant 2 : i32
      %mul3A_558 = arith.muli %add3A_535, %mul3A_557 : i32
      %add3A_559 = arith.constant 1 : i32
      %add3A_560 = arith.addi %mul3A_558, %add3A_559 : i32
      %dma_start3A_561 = arith.constant 0 : i32
      %dma_start3A_562 = arith.constant 1 : i32
      %dma_start3A_563 = arith.constant 0 : i32
      %dma_start3A_564 = arith.constant 0 : i32
      %dma_start3A_565 = arith.constant 0 : i32
      %dma_start3A_566 = tpu.memref_slice %arg6[%dma_start3A_561, %dma_start3A_563, %dma_start3A_564, %dma_start3A_565] : memref<2x2x128x128xf32, #tpu.memory_space<vmem>> -> memref<1x2x128x128xf32, #tpu.memory_space<vmem>>
      %dma_start3A_567 = tpu.memref_squeeze %dma_start3A_566 : memref<1x2x128x128xf32, #tpu.memory_space<vmem>> -> memref<2x128x128xf32, #tpu.memory_space<vmem>>
      %dma_start3A_568 = arith.constant 0 : i32
      %dma_start3A_569 = arith.constant 0 : i32
      %dma_start3A_570 = tpu.memref_slice %dma_start3A_567[%dma_start3A_562, %dma_start3A_568, %dma_start3A_569] : memref<2x128x128xf32, #tpu.memory_space<vmem>> -> memref<1x128x128xf32, #tpu.memory_space<vmem>>
      %dma_start3A_571 = tpu.memref_squeeze %dma_start3A_570 : memref<1x128x128xf32, #tpu.memory_space<vmem>> -> memref<128x128xf32, #tpu.memory_space<vmem>>
      %dma_start3A_572 = arith.constant 0 : i32
      %dma_start3A_573 = tpu.memref_slice %arg5[%add3A_560, %dma_start3A_572] : memref<16x128xi32, #tpu.memory_space<vmem>> -> memref<1x128xi32, #tpu.memory_space<vmem>>
      %dma_start3A_574 = tpu.memref_squeeze %dma_start3A_573 : memref<1x128xi32, #tpu.memory_space<vmem>> -> memref<128xi32, #tpu.memory_space<vmem>>
      %dma_start3A_575 = arith.constant 0 : i32
      %dma_start3A_576 = arith.constant 0 : i32
      %dma_start3A_577 = tpu.memref_slice %arg7[%dma_start3A_575, %dma_start3A_576] : memref<640x128xf32, #tpu.memory_space<vmem_shared>> -> memref<640x128xf32, #tpu.memory_space<vmem_shared>>
      tpu.enqueue_indirect_dma source(%dma_start3A_577 : memref<640x128xf32, #tpu.memory_space<vmem_shared>>) target(%dma_start3A_571 : memref<128x128xf32, #tpu.memory_space<vmem>>) offsets(%dma_start3A_574 : memref<128xi32, #tpu.memory_space<vmem>>) semaphore(%arg8 : memref<!tpu.dma_semaphore, #tpu.memory_space<semaphore_mem>>)
      %add3A_578 = arith.constant 1 : i32
      %add3A_579 = arith.addi %add3A_366, %add3A_578 : i32
      %mul3A_580 = arith.constant 2 : i32
      %mul3A_581 = arith.muli %add3A_579, %mul3A_580 : i32
      %add3A_582 = arith.constant 0 : i32
      %add3A_583 = arith.addi %mul3A_581, %add3A_582 : i32
      %dma_wait3A_584 = arith.constant 0 : i32
      %dma_wait3A_585 = arith.constant 0 : i32
      %dma_wait3A_586 = arith.constant 0 : i32
      %dma_wait3A_587 = arith.constant 0 : i32
      %dma_wait3A_588 = arith.constant 0 : i32
      %dma_wait3A_589 = tpu.memref_slice %arg6[%dma_wait3A_584, %dma_wait3A_586, %dma_wait3A_587, %dma_wait3A_588] : memref<2x2x128x128xf32, #tpu.memory_space<vmem>> -> memref<1x2x128x128xf32, #tpu.memory_space<vmem>>
      %dma_wait3A_590 = tpu.memref_squeeze %dma_wait3A_589 : memref<1x2x128x128xf32, #tpu.memory_space<vmem>> -> memref<2x128x128xf32, #tpu.memory_space<vmem>>
      %dma_wait3A_591 = arith.constant 0 : i32
      %dma_wait3A_592 = arith.constant 0 : i32
      %dma_wait3A_593 = tpu.memref_slice %dma_wait3A_590[%dma_wait3A_585, %dma_wait3A_591, %dma_wait3A_592] : memref<2x128x128xf32, #tpu.memory_space<vmem>> -> memref<1x128x128xf32, #tpu.memory_space<vmem>>
      %dma_wait3A_594 = tpu.memref_squeeze %dma_wait3A_593 : memref<1x128x128xf32, #tpu.memory_space<vmem>> -> memref<128x128xf32, #tpu.memory_space<vmem>>
      %dma_wait3A_595 = arith.constant 0 : i32
      %dma_wait3A_596 = tpu.memref_slice %arg5[%add3A_583, %dma_wait3A_595] : memref<16x128xi32, #tpu.memory_space<vmem>> -> memref<1x128xi32, #tpu.memory_space<vmem>>
      %dma_wait3A_597 = tpu.memref_squeeze %dma_wait3A_596 : memref<1x128xi32, #tpu.memory_space<vmem>> -> memref<128xi32, #tpu.memory_space<vmem>>
      %dma_wait3A_598 = arith.constant 0 : i32
      %dma_wait3A_599 = arith.constant 0 : i32
      %dma_wait3A_600 = tpu.memref_slice %arg7[%dma_wait3A_598, %dma_wait3A_599] : memref<640x128xf32, #tpu.memory_space<vmem_shared>> -> memref<640x128xf32, #tpu.memory_space<vmem_shared>>
      tpu.wait_indirect_dma semaphore(%arg8 : memref<!tpu.dma_semaphore, #tpu.memory_space<semaphore_mem>>) src(%dma_wait3A_600 : memref<640x128xf32, #tpu.memory_space<vmem_shared>>) dst(%dma_wait3A_594 : memref<128x128xf32, #tpu.memory_space<vmem>>)
      %mul3A_601 = arith.constant 2 : i32
      %mul3A_602 = arith.muli %add3A_579, %mul3A_601 : i32
      %add3A_603 = arith.constant 1 : i32
      %add3A_604 = arith.addi %mul3A_602, %add3A_603 : i32
      %dma_wait3A_605 = arith.constant 0 : i32
      %dma_wait3A_606 = arith.constant 1 : i32
      %dma_wait3A_607 = arith.constant 0 : i32
      %dma_wait3A_608 = arith.constant 0 : i32
      %dma_wait3A_609 = arith.constant 0 : i32
      %dma_wait3A_610 = tpu.memref_slice %arg6[%dma_wait3A_605, %dma_wait3A_607, %dma_wait3A_608, %dma_wait3A_609] : memref<2x2x128x128xf32, #tpu.memory_space<vmem>> -> memref<1x2x128x128xf32, #tpu.memory_space<vmem>>
      %dma_wait3A_611 = tpu.memref_squeeze %dma_wait3A_610 : memref<1x2x128x128xf32, #tpu.memory_space<vmem>> -> memref<2x128x128xf32, #tpu.memory_space<vmem>>
      %dma_wait3A_612 = arith.constant 0 : i32
      %dma_wait3A_613 = arith.constant 0 : i32
      %dma_wait3A_614 = tpu.memref_slice %dma_wait3A_611[%dma_wait3A_606, %dma_wait3A_612, %dma_wait3A_613] : memref<2x128x128xf32, #tpu.memory_space<vmem>> -> memref<1x128x128xf32, #tpu.memory_space<vmem>>
      %dma_wait3A_615 = tpu.memref_squeeze %dma_wait3A_614 : memref<1x128x128xf32, #tpu.memory_space<vmem>> -> memref<128x128xf32, #tpu.memory_space<vmem>>
      %dma_wait3A_616 = arith.constant 0 : i32
      %dma_wait3A_617 = tpu.memref_slice %arg5[%add3A_604, %dma_wait3A_616] : memref<16x128xi32, #tpu.memory_space<vmem>> -> memref<1x128xi32, #tpu.memory_space<vmem>>
      %dma_wait3A_618 = tpu.memref_squeeze %dma_wait3A_617 : memref<1x128xi32, #tpu.memory_space<vmem>> -> memref<128xi32, #tpu.memory_space<vmem>>
      %dma_wait3A_619 = arith.constant 0 : i32
      %dma_wait3A_620 = arith.constant 0 : i32
      %dma_wait3A_621 = tpu.memref_slice %arg7[%dma_wait3A_619, %dma_wait3A_620] : memref<640x128xf32, #tpu.memory_space<vmem_shared>> -> memref<640x128xf32, #tpu.memory_space<vmem_shared>>
      tpu.wait_indirect_dma semaphore(%arg8 : memref<!tpu.dma_semaphore, #tpu.memory_space<semaphore_mem>>) src(%dma_wait3A_621 : memref<640x128xf32, #tpu.memory_space<vmem_shared>>) dst(%dma_wait3A_615 : memref<128x128xf32, #tpu.memory_space<vmem>>)
      %mul3A_622 = arith.constant 2 : i32
      %mul3A_623 = arith.muli %add3A_579, %mul3A_622 : i32
      %add3A_624 = arith.constant 0 : i32
      %add3A_625 = arith.addi %mul3A_623, %add3A_624 : i32
      %mul3A_626 = arith.constant 128 : i32
      %mul3A_627 = arith.muli %add3A_625, %mul3A_626 : i32
      %add3A_628 = arith.addi %mul3A_2, %mul3A_627 : i32
      %dma_start3A_629 = arith.constant 0 : i32
      %dma_start3A_630 = arith.constant 0 : i32
      %dma_start3A_631 = arith.constant 0 : i32
      %dma_start3A_632 = arith.constant 0 : i32
      %dma_start3A_633 = arith.constant 0 : i32
      %dma_start3A_634 = tpu.memref_slice %arg6[%dma_start3A_629, %dma_start3A_631, %dma_start3A_632, %dma_start3A_633] : memref<2x2x128x128xf32, #tpu.memory_space<vmem>> -> memref<1x2x128x128xf32, #tpu.memory_space<vmem>>
      %dma_start3A_635 = tpu.memref_squeeze %dma_start3A_634 : memref<1x2x128x128xf32, #tpu.memory_space<vmem>> -> memref<2x128x128xf32, #tpu.memory_space<vmem>>
      %dma_start3A_636 = arith.constant 0 : i32
      %dma_start3A_637 = arith.constant 0 : i32
      %dma_start3A_638 = tpu.memref_slice %dma_start3A_635[%dma_start3A_630, %dma_start3A_636, %dma_start3A_637] : memref<2x128x128xf32, #tpu.memory_space<vmem>> -> memref<1x128x128xf32, #tpu.memory_space<vmem>>
      %dma_start3A_639 = tpu.memref_squeeze %dma_start3A_638 : memref<1x128x128xf32, #tpu.memory_space<vmem>> -> memref<128x128xf32, #tpu.memory_space<vmem>>
      %dma_start3A_640 = arith.constant 0 : i32
      %dma_start3A_641 = tpu.memref_slice %arg4[%add3A_628, %dma_start3A_640] : memref<65536x128xf32, #tpu.memory_space<hbm>> -> memref<128x128xf32, #tpu.memory_space<hbm>>
      %dma_start3A_642 = arith.constant 0 : i32
      %dma_start3A_643 = tpu.memref_slice %arg4[%add3A_628, %dma_start3A_642] : memref<65536x128xf32, #tpu.memory_space<hbm>> -> memref<128x128xf32, #tpu.memory_space<hbm>>
      %dma_start3A_644 = arith.constant 0 : i32
      %dma_start3A_645 = arith.constant 0 : i32
      %dma_start3A_646 = arith.constant 0 : i32
      %dma_start3A_647 = tpu.memref_slice %arg6[%dma_start3A_629, %dma_start3A_644, %dma_start3A_645, %dma_start3A_646] : memref<2x2x128x128xf32, #tpu.memory_space<vmem>> -> memref<1x2x128x128xf32, #tpu.memory_space<vmem>>
      %dma_start3A_648 = tpu.memref_squeeze %dma_start3A_647 : memref<1x2x128x128xf32, #tpu.memory_space<vmem>> -> memref<2x128x128xf32, #tpu.memory_space<vmem>>
      %dma_start3A_649 = arith.constant 0 : i32
      %dma_start3A_650 = arith.constant 0 : i32
      %dma_start3A_651 = tpu.memref_slice %dma_start3A_648[%dma_start3A_630, %dma_start3A_649, %dma_start3A_650] : memref<2x128x128xf32, #tpu.memory_space<vmem>> -> memref<1x128x128xf32, #tpu.memory_space<vmem>>
      %dma_start3A_652 = tpu.memref_squeeze %dma_start3A_651 : memref<1x128x128xf32, #tpu.memory_space<vmem>> -> memref<128x128xf32, #tpu.memory_space<vmem>>
      tpu.enqueue_dma source(%dma_start3A_652 : memref<128x128xf32, #tpu.memory_space<vmem>>) target(%dma_start3A_643 : memref<128x128xf32, #tpu.memory_space<hbm>>) target_semaphore(%arg10 : memref<!tpu.dma_semaphore, #tpu.memory_space<semaphore_mem>>)
      %mul3A_653 = arith.constant 2 : i32
      %mul3A_654 = arith.muli %add3A_579, %mul3A_653 : i32
      %add3A_655 = arith.constant 1 : i32
      %add3A_656 = arith.addi %mul3A_654, %add3A_655 : i32
      %mul3A_657 = arith.constant 128 : i32
      %mul3A_658 = arith.muli %add3A_656, %mul3A_657 : i32
      %add3A_659 = arith.addi %mul3A_2, %mul3A_658 : i32
      %dma_start3A_660 = arith.constant 0 : i32
      %dma_start3A_661 = arith.constant 1 : i32
      %dma_start3A_662 = arith.constant 0 : i32
      %dma_start3A_663 = arith.constant 0 : i32
      %dma_start3A_664 = arith.constant 0 : i32
      %dma_start3A_665 = tpu.memref_slice %arg6[%dma_start3A_660, %dma_start3A_662, %dma_start3A_663, %dma_start3A_664] : memref<2x2x128x128xf32, #tpu.memory_space<vmem>> -> memref<1x2x128x128xf32, #tpu.memory_space<vmem>>
      %dma_start3A_666 = tpu.memref_squeeze %dma_start3A_665 : memref<1x2x128x128xf32, #tpu.memory_space<vmem>> -> memref<2x128x128xf32, #tpu.memory_space<vmem>>
      %dma_start3A_667 = arith.constant 0 : i32
      %dma_start3A_668 = arith.constant 0 : i32
      %dma_start3A_669 = tpu.memref_slice %dma_start3A_666[%dma_start3A_661, %dma_start3A_667, %dma_start3A_668] : memref<2x128x128xf32, #tpu.memory_space<vmem>> -> memref<1x128x128xf32, #tpu.memory_space<vmem>>
      %dma_start3A_670 = tpu.memref_squeeze %dma_start3A_669 : memref<1x128x128xf32, #tpu.memory_space<vmem>> -> memref<128x128xf32, #tpu.memory_space<vmem>>
      %dma_start3A_671 = arith.constant 0 : i32
      %dma_start3A_672 = tpu.memref_slice %arg4[%add3A_659, %dma_start3A_671] : memref<65536x128xf32, #tpu.memory_space<hbm>> -> memref<128x128xf32, #tpu.memory_space<hbm>>
      %dma_start3A_673 = arith.constant 0 : i32
      %dma_start3A_674 = tpu.memref_slice %arg4[%add3A_659, %dma_start3A_673] : memref<65536x128xf32, #tpu.memory_space<hbm>> -> memref<128x128xf32, #tpu.memory_space<hbm>>
      %dma_start3A_675 = arith.constant 0 : i32
      %dma_start3A_676 = arith.constant 0 : i32
      %dma_start3A_677 = arith.constant 0 : i32
      %dma_start3A_678 = tpu.memref_slice %arg6[%dma_start3A_660, %dma_start3A_675, %dma_start3A_676, %dma_start3A_677] : memref<2x2x128x128xf32, #tpu.memory_space<vmem>> -> memref<1x2x128x128xf32, #tpu.memory_space<vmem>>
      %dma_start3A_679 = tpu.memref_squeeze %dma_start3A_678 : memref<1x2x128x128xf32, #tpu.memory_space<vmem>> -> memref<2x128x128xf32, #tpu.memory_space<vmem>>
      %dma_start3A_680 = arith.constant 0 : i32
      %dma_start3A_681 = arith.constant 0 : i32
      %dma_start3A_682 = tpu.memref_slice %dma_start3A_679[%dma_start3A_661, %dma_start3A_680, %dma_start3A_681] : memref<2x128x128xf32, #tpu.memory_space<vmem>> -> memref<1x128x128xf32, #tpu.memory_space<vmem>>
      %dma_start3A_683 = tpu.memref_squeeze %dma_start3A_682 : memref<1x128x128xf32, #tpu.memory_space<vmem>> -> memref<128x128xf32, #tpu.memory_space<vmem>>
      tpu.enqueue_dma source(%dma_start3A_683 : memref<128x128xf32, #tpu.memory_space<vmem>>) target(%dma_start3A_674 : memref<128x128xf32, #tpu.memory_space<hbm>>) target_semaphore(%arg10 : memref<!tpu.dma_semaphore, #tpu.memory_space<semaphore_mem>>)
      %sub3A_684 = arith.constant 1 : i32
      %sub3A_685 = arith.subi %add3A_579, %sub3A_684 : i32
      %mul3A_686 = arith.constant 2 : i32
      %mul3A_687 = arith.muli %sub3A_685, %mul3A_686 : i32
      %add3A_688 = arith.constant 0 : i32
      %add3A_689 = arith.addi %mul3A_687, %add3A_688 : i32
      %mul3A_690 = arith.constant 128 : i32
      %mul3A_691 = arith.muli %add3A_689, %mul3A_690 : i32
      %add3A_692 = arith.addi %mul3A_2, %mul3A_691 : i32
      %dma_wait3A_693 = arith.constant 1 : i32
      %dma_wait3A_694 = arith.constant 0 : i32
      %dma_wait3A_695 = arith.constant 0 : i32
      %dma_wait3A_696 = arith.constant 0 : i32
      %dma_wait3A_697 = arith.constant 0 : i32
      %dma_wait3A_698 = tpu.memref_slice %arg6[%dma_wait3A_693, %dma_wait3A_695, %dma_wait3A_696, %dma_wait3A_697] : memref<2x2x128x128xf32, #tpu.memory_space<vmem>> -> memref<1x2x128x128xf32, #tpu.memory_space<vmem>>
      %dma_wait3A_699 = tpu.memref_squeeze %dma_wait3A_698 : memref<1x2x128x128xf32, #tpu.memory_space<vmem>> -> memref<2x128x128xf32, #tpu.memory_space<vmem>>
      %dma_wait3A_700 = arith.constant 0 : i32
      %dma_wait3A_701 = arith.constant 0 : i32
      %dma_wait3A_702 = tpu.memref_slice %dma_wait3A_699[%dma_wait3A_694, %dma_wait3A_700, %dma_wait3A_701] : memref<2x128x128xf32, #tpu.memory_space<vmem>> -> memref<1x128x128xf32, #tpu.memory_space<vmem>>
      %dma_wait3A_703 = tpu.memref_squeeze %dma_wait3A_702 : memref<1x128x128xf32, #tpu.memory_space<vmem>> -> memref<128x128xf32, #tpu.memory_space<vmem>>
      %dma_wait3A_704 = arith.constant 0 : i32
      %dma_wait3A_705 = tpu.memref_slice %arg4[%add3A_692, %dma_wait3A_704] : memref<65536x128xf32, #tpu.memory_space<hbm>> -> memref<128x128xf32, #tpu.memory_space<hbm>>
      %dma_wait3A_706 = arith.constant 0 : i32
      %dma_wait3A_707 = tpu.memref_slice %arg4[%add3A_692, %dma_wait3A_706] : memref<65536x128xf32, #tpu.memory_space<hbm>> -> memref<128x128xf32, #tpu.memory_space<hbm>>
      %dma_wait3A_708 = arith.constant 0 : i32
      %dma_wait3A_709 = arith.constant 0 : i32
      %dma_wait3A_710 = arith.constant 0 : i32
      %dma_wait3A_711 = tpu.memref_slice %arg6[%dma_wait3A_693, %dma_wait3A_708, %dma_wait3A_709, %dma_wait3A_710] : memref<2x2x128x128xf32, #tpu.memory_space<vmem>> -> memref<1x2x128x128xf32, #tpu.memory_space<vmem>>
      %dma_wait3A_712 = tpu.memref_squeeze %dma_wait3A_711 : memref<1x2x128x128xf32, #tpu.memory_space<vmem>> -> memref<2x128x128xf32, #tpu.memory_space<vmem>>
      %dma_wait3A_713 = arith.constant 0 : i32
      %dma_wait3A_714 = arith.constant 0 : i32
      %dma_wait3A_715 = tpu.memref_slice %dma_wait3A_712[%dma_wait3A_694, %dma_wait3A_713, %dma_wait3A_714] : memref<2x128x128xf32, #tpu.memory_space<vmem>> -> memref<1x128x128xf32, #tpu.memory_space<vmem>>
      %dma_wait3A_716 = tpu.memref_squeeze %dma_wait3A_715 : memref<1x128x128xf32, #tpu.memory_space<vmem>> -> memref<128x128xf32, #tpu.memory_space<vmem>>
      tpu.wait_dma2 semaphore(%arg11 : memref<!tpu.dma_semaphore, #tpu.memory_space<semaphore_mem>>) src(%dma_wait3A_716 : memref<128x128xf32, #tpu.memory_space<vmem>>) dst(%dma_wait3A_707 : memref<128x128xf32, #tpu.memory_space<hbm>>)
      %mul3A_717 = arith.constant 2 : i32
      %mul3A_718 = arith.muli %sub3A_685, %mul3A_717 : i32
      %add3A_719 = arith.constant 1 : i32
      %add3A_720 = arith.addi %mul3A_718, %add3A_719 : i32
      %mul3A_721 = arith.constant 128 : i32
      %mul3A_722 = arith.muli %add3A_720, %mul3A_721 : i32
      %add3A_723 = arith.addi %mul3A_2, %mul3A_722 : i32
      %dma_wait3A_724 = arith.constant 1 : i32
      %dma_wait3A_725 = arith.constant 1 : i32
      %dma_wait3A_726 = arith.constant 0 : i32
      %dma_wait3A_727 = arith.constant 0 : i32
      %dma_wait3A_728 = arith.constant 0 : i32
      %dma_wait3A_729 = tpu.memref_slice %arg6[%dma_wait3A_724, %dma_wait3A_726, %dma_wait3A_727, %dma_wait3A_728] : memref<2x2x128x128xf32, #tpu.memory_space<vmem>> -> memref<1x2x128x128xf32, #tpu.memory_space<vmem>>
      %dma_wait3A_730 = tpu.memref_squeeze %dma_wait3A_729 : memref<1x2x128x128xf32, #tpu.memory_space<vmem>> -> memref<2x128x128xf32, #tpu.memory_space<vmem>>
      %dma_wait3A_731 = arith.constant 0 : i32
      %dma_wait3A_732 = arith.constant 0 : i32
      %dma_wait3A_733 = tpu.memref_slice %dma_wait3A_730[%dma_wait3A_725, %dma_wait3A_731, %dma_wait3A_732] : memref<2x128x128xf32, #tpu.memory_space<vmem>> -> memref<1x128x128xf32, #tpu.memory_space<vmem>>
      %dma_wait3A_734 = tpu.memref_squeeze %dma_wait3A_733 : memref<1x128x128xf32, #tpu.memory_space<vmem>> -> memref<128x128xf32, #tpu.memory_space<vmem>>
      %dma_wait3A_735 = arith.constant 0 : i32
      %dma_wait3A_736 = tpu.memref_slice %arg4[%add3A_723, %dma_wait3A_735] : memref<65536x128xf32, #tpu.memory_space<hbm>> -> memref<128x128xf32, #tpu.memory_space<hbm>>
      %dma_wait3A_737 = arith.constant 0 : i32
      %dma_wait3A_738 = tpu.memref_slice %arg4[%add3A_723, %dma_wait3A_737] : memref<65536x128xf32, #tpu.memory_space<hbm>> -> memref<128x128xf32, #tpu.memory_space<hbm>>
      %dma_wait3A_739 = arith.constant 0 : i32
      %dma_wait3A_740 = arith.constant 0 : i32
      %dma_wait3A_741 = arith.constant 0 : i32
      %dma_wait3A_742 = tpu.memref_slice %arg6[%dma_wait3A_724, %dma_wait3A_739, %dma_wait3A_740, %dma_wait3A_741] : memref<2x2x128x128xf32, #tpu.memory_space<vmem>> -> memref<1x2x128x128xf32, #tpu.memory_space<vmem>>
      %dma_wait3A_743 = tpu.memref_squeeze %dma_wait3A_742 : memref<1x2x128x128xf32, #tpu.memory_space<vmem>> -> memref<2x128x128xf32, #tpu.memory_space<vmem>>
      %dma_wait3A_744 = arith.constant 0 : i32
      %dma_wait3A_745 = arith.constant 0 : i32
      %dma_wait3A_746 = tpu.memref_slice %dma_wait3A_743[%dma_wait3A_725, %dma_wait3A_744, %dma_wait3A_745] : memref<2x128x128xf32, #tpu.memory_space<vmem>> -> memref<1x128x128xf32, #tpu.memory_space<vmem>>
      %dma_wait3A_747 = tpu.memref_squeeze %dma_wait3A_746 : memref<1x128x128xf32, #tpu.memory_space<vmem>> -> memref<128x128xf32, #tpu.memory_space<vmem>>
      tpu.wait_dma2 semaphore(%arg11 : memref<!tpu.dma_semaphore, #tpu.memory_space<semaphore_mem>>) src(%dma_wait3A_747 : memref<128x128xf32, #tpu.memory_space<vmem>>) dst(%dma_wait3A_738 : memref<128x128xf32, #tpu.memory_space<hbm>>)
      %add3A_748 = arith.constant 1 : i32
      %add3A_749 = arith.addi %add3A_579, %add3A_748 : i32
      %mul3A_750 = arith.constant 2 : i32
      %mul3A_751 = arith.muli %add3A_749, %mul3A_750 : i32
      %add3A_752 = arith.constant 0 : i32
      %add3A_753 = arith.addi %mul3A_751, %add3A_752 : i32
      %dma_start3A_754 = arith.constant 1 : i32
      %dma_start3A_755 = arith.constant 0 : i32
      %dma_start3A_756 = arith.constant 0 : i32
      %dma_start3A_757 = arith.constant 0 : i32
      %dma_start3A_758 = arith.constant 0 : i32
      %dma_start3A_759 = tpu.memref_slice %arg6[%dma_start3A_754, %dma_start3A_756, %dma_start3A_757, %dma_start3A_758] : memref<2x2x128x128xf32, #tpu.memory_space<vmem>> -> memref<1x2x128x128xf32, #tpu.memory_space<vmem>>
      %dma_start3A_760 = tpu.memref_squeeze %dma_start3A_759 : memref<1x2x128x128xf32, #tpu.memory_space<vmem>> -> memref<2x128x128xf32, #tpu.memory_space<vmem>>
      %dma_start3A_761 = arith.constant 0 : i32
      %dma_start3A_762 = arith.constant 0 : i32
      %dma_start3A_763 = tpu.memref_slice %dma_start3A_760[%dma_start3A_755, %dma_start3A_761, %dma_start3A_762] : memref<2x128x128xf32, #tpu.memory_space<vmem>> -> memref<1x128x128xf32, #tpu.memory_space<vmem>>
      %dma_start3A_764 = tpu.memref_squeeze %dma_start3A_763 : memref<1x128x128xf32, #tpu.memory_space<vmem>> -> memref<128x128xf32, #tpu.memory_space<vmem>>
      %dma_start3A_765 = arith.constant 0 : i32
      %dma_start3A_766 = tpu.memref_slice %arg5[%add3A_753, %dma_start3A_765] : memref<16x128xi32, #tpu.memory_space<vmem>> -> memref<1x128xi32, #tpu.memory_space<vmem>>
      %dma_start3A_767 = tpu.memref_squeeze %dma_start3A_766 : memref<1x128xi32, #tpu.memory_space<vmem>> -> memref<128xi32, #tpu.memory_space<vmem>>
      %dma_start3A_768 = arith.constant 0 : i32
      %dma_start3A_769 = arith.constant 0 : i32
      %dma_start3A_770 = tpu.memref_slice %arg7[%dma_start3A_768, %dma_start3A_769] : memref<640x128xf32, #tpu.memory_space<vmem_shared>> -> memref<640x128xf32, #tpu.memory_space<vmem_shared>>
      tpu.enqueue_indirect_dma source(%dma_start3A_770 : memref<640x128xf32, #tpu.memory_space<vmem_shared>>) target(%dma_start3A_764 : memref<128x128xf32, #tpu.memory_space<vmem>>) offsets(%dma_start3A_767 : memref<128xi32, #tpu.memory_space<vmem>>) semaphore(%arg9 : memref<!tpu.dma_semaphore, #tpu.memory_space<semaphore_mem>>)
      %mul3A_771 = arith.constant 2 : i32
      %mul3A_772 = arith.muli %add3A_749, %mul3A_771 : i32
      %add3A_773 = arith.constant 1 : i32
      %add3A_774 = arith.addi %mul3A_772, %add3A_773 : i32
      %dma_start3A_775 = arith.constant 1 : i32
      %dma_start3A_776 = arith.constant 1 : i32
      %dma_start3A_777 = arith.constant 0 : i32
      %dma_start3A_778 = arith.constant 0 : i32
      %dma_start3A_779 = arith.constant 0 : i32
      %dma_start3A_780 = tpu.memref_slice %arg6[%dma_start3A_775, %dma_start3A_777, %dma_start3A_778, %dma_start3A_779] : memref<2x2x128x128xf32, #tpu.memory_space<vmem>> -> memref<1x2x128x128xf32, #tpu.memory_space<vmem>>
      %dma_start3A_781 = tpu.memref_squeeze %dma_start3A_780 : memref<1x2x128x128xf32, #tpu.memory_space<vmem>> -> memref<2x128x128xf32, #tpu.memory_space<vmem>>
      %dma_start3A_782 = arith.constant 0 : i32
      %dma_start3A_783 = arith.constant 0 : i32
      %dma_start3A_784 = tpu.memref_slice %dma_start3A_781[%dma_start3A_776, %dma_start3A_782, %dma_start3A_783] : memref<2x128x128xf32, #tpu.memory_space<vmem>> -> memref<1x128x128xf32, #tpu.memory_space<vmem>>
      %dma_start3A_785 = tpu.memref_squeeze %dma_start3A_784 : memref<1x128x128xf32, #tpu.memory_space<vmem>> -> memref<128x128xf32, #tpu.memory_space<vmem>>
      %dma_start3A_786 = arith.constant 0 : i32
      %dma_start3A_787 = tpu.memref_slice %arg5[%add3A_774, %dma_start3A_786] : memref<16x128xi32, #tpu.memory_space<vmem>> -> memref<1x128xi32, #tpu.memory_space<vmem>>
      %dma_start3A_788 = tpu.memref_squeeze %dma_start3A_787 : memref<1x128xi32, #tpu.memory_space<vmem>> -> memref<128xi32, #tpu.memory_space<vmem>>
      %dma_start3A_789 = arith.constant 0 : i32
      %dma_start3A_790 = arith.constant 0 : i32
      %dma_start3A_791 = tpu.memref_slice %arg7[%dma_start3A_789, %dma_start3A_790] : memref<640x128xf32, #tpu.memory_space<vmem_shared>> -> memref<640x128xf32, #tpu.memory_space<vmem_shared>>
      tpu.enqueue_indirect_dma source(%dma_start3A_791 : memref<640x128xf32, #tpu.memory_space<vmem_shared>>) target(%dma_start3A_785 : memref<128x128xf32, #tpu.memory_space<vmem>>) offsets(%dma_start3A_788 : memref<128xi32, #tpu.memory_space<vmem>>) semaphore(%arg9 : memref<!tpu.dma_semaphore, #tpu.memory_space<semaphore_mem>>)
    }
    %scan3A_169 = arith.constant 3 : i32
    %dma_wait3A_170 = arith.constant 14 : i32
    %dma_wait3A_171 = arith.constant 1 : i32
    %dma_wait3A_172 = arith.constant 0 : i32
    %dma_wait3A_173 = arith.constant 0 : i32
    %dma_wait3A_174 = arith.constant 0 : i32
    %dma_wait3A_175 = arith.constant 0 : i32
    %dma_wait3A_176 = tpu.memref_slice %arg6[%dma_wait3A_171, %dma_wait3A_173, %dma_wait3A_174, %dma_wait3A_175] : memref<2x2x128x128xf32, #tpu.memory_space<vmem>> -> memref<1x2x128x128xf32, #tpu.memory_space<vmem>>
    %dma_wait3A_177 = tpu.memref_squeeze %dma_wait3A_176 : memref<1x2x128x128xf32, #tpu.memory_space<vmem>> -> memref<2x128x128xf32, #tpu.memory_space<vmem>>
    %dma_wait3A_178 = arith.constant 0 : i32
    %dma_wait3A_179 = arith.constant 0 : i32
    %dma_wait3A_180 = tpu.memref_slice %dma_wait3A_177[%dma_wait3A_172, %dma_wait3A_178, %dma_wait3A_179] : memref<2x128x128xf32, #tpu.memory_space<vmem>> -> memref<1x128x128xf32, #tpu.memory_space<vmem>>
    %dma_wait3A_181 = tpu.memref_squeeze %dma_wait3A_180 : memref<1x128x128xf32, #tpu.memory_space<vmem>> -> memref<128x128xf32, #tpu.memory_space<vmem>>
    %dma_wait3A_182 = arith.constant 0 : i32
    %dma_wait3A_183 = tpu.memref_slice %arg5[%dma_wait3A_170, %dma_wait3A_182] : memref<16x128xi32, #tpu.memory_space<vmem>> -> memref<1x128xi32, #tpu.memory_space<vmem>>
    %dma_wait3A_184 = tpu.memref_squeeze %dma_wait3A_183 : memref<1x128xi32, #tpu.memory_space<vmem>> -> memref<128xi32, #tpu.memory_space<vmem>>
    %dma_wait3A_185 = arith.constant 0 : i32
    %dma_wait3A_186 = arith.constant 0 : i32
    %dma_wait3A_187 = tpu.memref_slice %arg7[%dma_wait3A_185, %dma_wait3A_186] : memref<640x128xf32, #tpu.memory_space<vmem_shared>> -> memref<640x128xf32, #tpu.memory_space<vmem_shared>>
    tpu.wait_indirect_dma semaphore(%arg9 : memref<!tpu.dma_semaphore, #tpu.memory_space<semaphore_mem>>) src(%dma_wait3A_187 : memref<640x128xf32, #tpu.memory_space<vmem_shared>>) dst(%dma_wait3A_181 : memref<128x128xf32, #tpu.memory_space<vmem>>)
    %dma_wait3A_188 = arith.constant 15 : i32
    %dma_wait3A_189 = arith.constant 1 : i32
    %dma_wait3A_190 = arith.constant 1 : i32
    %dma_wait3A_191 = arith.constant 0 : i32
    %dma_wait3A_192 = arith.constant 0 : i32
    %dma_wait3A_193 = arith.constant 0 : i32
    %dma_wait3A_194 = tpu.memref_slice %arg6[%dma_wait3A_189, %dma_wait3A_191, %dma_wait3A_192, %dma_wait3A_193] : memref<2x2x128x128xf32, #tpu.memory_space<vmem>> -> memref<1x2x128x128xf32, #tpu.memory_space<vmem>>
    %dma_wait3A_195 = tpu.memref_squeeze %dma_wait3A_194 : memref<1x2x128x128xf32, #tpu.memory_space<vmem>> -> memref<2x128x128xf32, #tpu.memory_space<vmem>>
    %dma_wait3A_196 = arith.constant 0 : i32
    %dma_wait3A_197 = arith.constant 0 : i32
    %dma_wait3A_198 = tpu.memref_slice %dma_wait3A_195[%dma_wait3A_190, %dma_wait3A_196, %dma_wait3A_197] : memref<2x128x128xf32, #tpu.memory_space<vmem>> -> memref<1x128x128xf32, #tpu.memory_space<vmem>>
    %dma_wait3A_199 = tpu.memref_squeeze %dma_wait3A_198 : memref<1x128x128xf32, #tpu.memory_space<vmem>> -> memref<128x128xf32, #tpu.memory_space<vmem>>
    %dma_wait3A_200 = arith.constant 0 : i32
    %dma_wait3A_201 = tpu.memref_slice %arg5[%dma_wait3A_188, %dma_wait3A_200] : memref<16x128xi32, #tpu.memory_space<vmem>> -> memref<1x128xi32, #tpu.memory_space<vmem>>
    %dma_wait3A_202 = tpu.memref_squeeze %dma_wait3A_201 : memref<1x128xi32, #tpu.memory_space<vmem>> -> memref<128xi32, #tpu.memory_space<vmem>>
    %dma_wait3A_203 = arith.constant 0 : i32
    %dma_wait3A_204 = arith.constant 0 : i32
    %dma_wait3A_205 = tpu.memref_slice %arg7[%dma_wait3A_203, %dma_wait3A_204] : memref<640x128xf32, #tpu.memory_space<vmem_shared>> -> memref<640x128xf32, #tpu.memory_space<vmem_shared>>
    tpu.wait_indirect_dma semaphore(%arg9 : memref<!tpu.dma_semaphore, #tpu.memory_space<semaphore_mem>>) src(%dma_wait3A_205 : memref<640x128xf32, #tpu.memory_space<vmem_shared>>) dst(%dma_wait3A_199 : memref<128x128xf32, #tpu.memory_space<vmem>>)
    %add3A_206 = arith.constant 1792 : i32
    %add3A_207 = arith.addi %mul3A_2, %add3A_206 : i32
    %dma_start3A_208 = arith.constant 1 : i32
    %dma_start3A_209 = arith.constant 0 : i32
    %dma_start3A_210 = arith.constant 0 : i32
    %dma_start3A_211 = arith.constant 0 : i32
    %dma_start3A_212 = arith.constant 0 : i32
    %dma_start3A_213 = tpu.memref_slice %arg6[%dma_start3A_208, %dma_start3A_210, %dma_start3A_211, %dma_start3A_212] : memref<2x2x128x128xf32, #tpu.memory_space<vmem>> -> memref<1x2x128x128xf32, #tpu.memory_space<vmem>>
    %dma_start3A_214 = tpu.memref_squeeze %dma_start3A_213 : memref<1x2x128x128xf32, #tpu.memory_space<vmem>> -> memref<2x128x128xf32, #tpu.memory_space<vmem>>
    %dma_start3A_215 = arith.constant 0 : i32
    %dma_start3A_216 = arith.constant 0 : i32
    %dma_start3A_217 = tpu.memref_slice %dma_start3A_214[%dma_start3A_209, %dma_start3A_215, %dma_start3A_216] : memref<2x128x128xf32, #tpu.memory_space<vmem>> -> memref<1x128x128xf32, #tpu.memory_space<vmem>>
    %dma_start3A_218 = tpu.memref_squeeze %dma_start3A_217 : memref<1x128x128xf32, #tpu.memory_space<vmem>> -> memref<128x128xf32, #tpu.memory_space<vmem>>
    %dma_start3A_219 = arith.constant 0 : i32
    %dma_start3A_220 = tpu.memref_slice %arg4[%add3A_207, %dma_start3A_219] : memref<65536x128xf32, #tpu.memory_space<hbm>> -> memref<128x128xf32, #tpu.memory_space<hbm>>
    %dma_start3A_221 = arith.constant 0 : i32
    %dma_start3A_222 = tpu.memref_slice %arg4[%add3A_207, %dma_start3A_221] : memref<65536x128xf32, #tpu.memory_space<hbm>> -> memref<128x128xf32, #tpu.memory_space<hbm>>
    %dma_start3A_223 = arith.constant 0 : i32
    %dma_start3A_224 = arith.constant 0 : i32
    %dma_start3A_225 = arith.constant 0 : i32
    %dma_start3A_226 = tpu.memref_slice %arg6[%dma_start3A_208, %dma_start3A_223, %dma_start3A_224, %dma_start3A_225] : memref<2x2x128x128xf32, #tpu.memory_space<vmem>> -> memref<1x2x128x128xf32, #tpu.memory_space<vmem>>
    %dma_start3A_227 = tpu.memref_squeeze %dma_start3A_226 : memref<1x2x128x128xf32, #tpu.memory_space<vmem>> -> memref<2x128x128xf32, #tpu.memory_space<vmem>>
    %dma_start3A_228 = arith.constant 0 : i32
    %dma_start3A_229 = arith.constant 0 : i32
    %dma_start3A_230 = tpu.memref_slice %dma_start3A_227[%dma_start3A_209, %dma_start3A_228, %dma_start3A_229] : memref<2x128x128xf32, #tpu.memory_space<vmem>> -> memref<1x128x128xf32, #tpu.memory_space<vmem>>
    %dma_start3A_231 = tpu.memref_squeeze %dma_start3A_230 : memref<1x128x128xf32, #tpu.memory_space<vmem>> -> memref<128x128xf32, #tpu.memory_space<vmem>>
    tpu.enqueue_dma source(%dma_start3A_231 : memref<128x128xf32, #tpu.memory_space<vmem>>) target(%dma_start3A_222 : memref<128x128xf32, #tpu.memory_space<hbm>>) target_semaphore(%arg11 : memref<!tpu.dma_semaphore, #tpu.memory_space<semaphore_mem>>)
    %add3A_232 = arith.constant 1920 : i32
    %add3A_233 = arith.addi %mul3A_2, %add3A_232 : i32
    %dma_start3A_234 = arith.constant 1 : i32
    %dma_start3A_235 = arith.constant 1 : i32
    %dma_start3A_236 = arith.constant 0 : i32
    %dma_start3A_237 = arith.constant 0 : i32
    %dma_start3A_238 = arith.constant 0 : i32
    %dma_start3A_239 = tpu.memref_slice %arg6[%dma_start3A_234, %dma_start3A_236, %dma_start3A_237, %dma_start3A_238] : memref<2x2x128x128xf32, #tpu.memory_space<vmem>> -> memref<1x2x128x128xf32, #tpu.memory_space<vmem>>
    %dma_start3A_240 = tpu.memref_squeeze %dma_start3A_239 : memref<1x2x128x128xf32, #tpu.memory_space<vmem>> -> memref<2x128x128xf32, #tpu.memory_space<vmem>>
    %dma_start3A_241 = arith.constant 0 : i32
    %dma_start3A_242 = arith.constant 0 : i32
    %dma_start3A_243 = tpu.memref_slice %dma_start3A_240[%dma_start3A_235, %dma_start3A_241, %dma_start3A_242] : memref<2x128x128xf32, #tpu.memory_space<vmem>> -> memref<1x128x128xf32, #tpu.memory_space<vmem>>
    %dma_start3A_244 = tpu.memref_squeeze %dma_start3A_243 : memref<1x128x128xf32, #tpu.memory_space<vmem>> -> memref<128x128xf32, #tpu.memory_space<vmem>>
    %dma_start3A_245 = arith.constant 0 : i32
    %dma_start3A_246 = tpu.memref_slice %arg4[%add3A_233, %dma_start3A_245] : memref<65536x128xf32, #tpu.memory_space<hbm>> -> memref<128x128xf32, #tpu.memory_space<hbm>>
    %dma_start3A_247 = arith.constant 0 : i32
    %dma_start3A_248 = tpu.memref_slice %arg4[%add3A_233, %dma_start3A_247] : memref<65536x128xf32, #tpu.memory_space<hbm>> -> memref<128x128xf32, #tpu.memory_space<hbm>>
    %dma_start3A_249 = arith.constant 0 : i32
    %dma_start3A_250 = arith.constant 0 : i32
    %dma_start3A_251 = arith.constant 0 : i32
    %dma_start3A_252 = tpu.memref_slice %arg6[%dma_start3A_234, %dma_start3A_249, %dma_start3A_250, %dma_start3A_251] : memref<2x2x128x128xf32, #tpu.memory_space<vmem>> -> memref<1x2x128x128xf32, #tpu.memory_space<vmem>>
    %dma_start3A_253 = tpu.memref_squeeze %dma_start3A_252 : memref<1x2x128x128xf32, #tpu.memory_space<vmem>> -> memref<2x128x128xf32, #tpu.memory_space<vmem>>
    %dma_start3A_254 = arith.constant 0 : i32
    %dma_start3A_255 = arith.constant 0 : i32
    %dma_start3A_256 = tpu.memref_slice %dma_start3A_253[%dma_start3A_235, %dma_start3A_254, %dma_start3A_255] : memref<2x128x128xf32, #tpu.memory_space<vmem>> -> memref<1x128x128xf32, #tpu.memory_space<vmem>>
    %dma_start3A_257 = tpu.memref_squeeze %dma_start3A_256 : memref<1x128x128xf32, #tpu.memory_space<vmem>> -> memref<128x128xf32, #tpu.memory_space<vmem>>
    tpu.enqueue_dma source(%dma_start3A_257 : memref<128x128xf32, #tpu.memory_space<vmem>>) target(%dma_start3A_248 : memref<128x128xf32, #tpu.memory_space<hbm>>) target_semaphore(%arg11 : memref<!tpu.dma_semaphore, #tpu.memory_space<semaphore_mem>>)
    %add3A_258 = arith.constant 1536 : i32
    %add3A_259 = arith.addi %mul3A_2, %add3A_258 : i32
    %dma_wait3A_260 = arith.constant 0 : i32
    %dma_wait3A_261 = arith.constant 0 : i32
    %dma_wait3A_262 = arith.constant 0 : i32
    %dma_wait3A_263 = arith.constant 0 : i32
    %dma_wait3A_264 = arith.constant 0 : i32
    %dma_wait3A_265 = tpu.memref_slice %arg6[%dma_wait3A_260, %dma_wait3A_262, %dma_wait3A_263, %dma_wait3A_264] : memref<2x2x128x128xf32, #tpu.memory_space<vmem>> -> memref<1x2x128x128xf32, #tpu.memory_space<vmem>>
    %dma_wait3A_266 = tpu.memref_squeeze %dma_wait3A_265 : memref<1x2x128x128xf32, #tpu.memory_space<vmem>> -> memref<2x128x128xf32, #tpu.memory_space<vmem>>
    %dma_wait3A_267 = arith.constant 0 : i32
    %dma_wait3A_268 = arith.constant 0 : i32
    %dma_wait3A_269 = tpu.memref_slice %dma_wait3A_266[%dma_wait3A_261, %dma_wait3A_267, %dma_wait3A_268] : memref<2x128x128xf32, #tpu.memory_space<vmem>> -> memref<1x128x128xf32, #tpu.memory_space<vmem>>
    %dma_wait3A_270 = tpu.memref_squeeze %dma_wait3A_269 : memref<1x128x128xf32, #tpu.memory_space<vmem>> -> memref<128x128xf32, #tpu.memory_space<vmem>>
    %dma_wait3A_271 = arith.constant 0 : i32
    %dma_wait3A_272 = tpu.memref_slice %arg4[%add3A_259, %dma_wait3A_271] : memref<65536x128xf32, #tpu.memory_space<hbm>> -> memref<128x128xf32, #tpu.memory_space<hbm>>
    %dma_wait3A_273 = arith.constant 0 : i32
    %dma_wait3A_274 = tpu.memref_slice %arg4[%add3A_259, %dma_wait3A_273] : memref<65536x128xf32, #tpu.memory_space<hbm>> -> memref<128x128xf32, #tpu.memory_space<hbm>>
    %dma_wait3A_275 = arith.constant 0 : i32
    %dma_wait3A_276 = arith.constant 0 : i32
    %dma_wait3A_277 = arith.constant 0 : i32
    %dma_wait3A_278 = tpu.memref_slice %arg6[%dma_wait3A_260, %dma_wait3A_275, %dma_wait3A_276, %dma_wait3A_277] : memref<2x2x128x128xf32, #tpu.memory_space<vmem>> -> memref<1x2x128x128xf32, #tpu.memory_space<vmem>>
    %dma_wait3A_279 = tpu.memref_squeeze %dma_wait3A_278 : memref<1x2x128x128xf32, #tpu.memory_space<vmem>> -> memref<2x128x128xf32, #tpu.memory_space<vmem>>
    %dma_wait3A_280 = arith.constant 0 : i32
    %dma_wait3A_281 = arith.constant 0 : i32
    %dma_wait3A_282 = tpu.memref_slice %dma_wait3A_279[%dma_wait3A_261, %dma_wait3A_280, %dma_wait3A_281] : memref<2x128x128xf32, #tpu.memory_space<vmem>> -> memref<1x128x128xf32, #tpu.memory_space<vmem>>
    %dma_wait3A_283 = tpu.memref_squeeze %dma_wait3A_282 : memref<1x128x128xf32, #tpu.memory_space<vmem>> -> memref<128x128xf32, #tpu.memory_space<vmem>>
    tpu.wait_dma2 semaphore(%arg10 : memref<!tpu.dma_semaphore, #tpu.memory_space<semaphore_mem>>) src(%dma_wait3A_283 : memref<128x128xf32, #tpu.memory_space<vmem>>) dst(%dma_wait3A_274 : memref<128x128xf32, #tpu.memory_space<hbm>>)
    %add3A_284 = arith.constant 1664 : i32
    %add3A_285 = arith.addi %mul3A_2, %add3A_284 : i32
    %dma_wait3A_286 = arith.constant 0 : i32
    %dma_wait3A_287 = arith.constant 1 : i32
    %dma_wait3A_288 = arith.constant 0 : i32
    %dma_wait3A_289 = arith.constant 0 : i32
    %dma_wait3A_290 = arith.constant 0 : i32
    %dma_wait3A_291 = tpu.memref_slice %arg6[%dma_wait3A_286, %dma_wait3A_288, %dma_wait3A_289, %dma_wait3A_290] : memref<2x2x128x128xf32, #tpu.memory_space<vmem>> -> memref<1x2x128x128xf32, #tpu.memory_space<vmem>>
    %dma_wait3A_292 = tpu.memref_squeeze %dma_wait3A_291 : memref<1x2x128x128xf32, #tpu.memory_space<vmem>> -> memref<2x128x128xf32, #tpu.memory_space<vmem>>
    %dma_wait3A_293 = arith.constant 0 : i32
    %dma_wait3A_294 = arith.constant 0 : i32
    %dma_wait3A_295 = tpu.memref_slice %dma_wait3A_292[%dma_wait3A_287, %dma_wait3A_293, %dma_wait3A_294] : memref<2x128x128xf32, #tpu.memory_space<vmem>> -> memref<1x128x128xf32, #tpu.memory_space<vmem>>
    %dma_wait3A_296 = tpu.memref_squeeze %dma_wait3A_295 : memref<1x128x128xf32, #tpu.memory_space<vmem>> -> memref<128x128xf32, #tpu.memory_space<vmem>>
    %dma_wait3A_297 = arith.constant 0 : i32
    %dma_wait3A_298 = tpu.memref_slice %arg4[%add3A_285, %dma_wait3A_297] : memref<65536x128xf32, #tpu.memory_space<hbm>> -> memref<128x128xf32, #tpu.memory_space<hbm>>
    %dma_wait3A_299 = arith.constant 0 : i32
    %dma_wait3A_300 = tpu.memref_slice %arg4[%add3A_285, %dma_wait3A_299] : memref<65536x128xf32, #tpu.memory_space<hbm>> -> memref<128x128xf32, #tpu.memory_space<hbm>>
    %dma_wait3A_301 = arith.constant 0 : i32
    %dma_wait3A_302 = arith.constant 0 : i32
    %dma_wait3A_303 = arith.constant 0 : i32
    %dma_wait3A_304 = tpu.memref_slice %arg6[%dma_wait3A_286, %dma_wait3A_301, %dma_wait3A_302, %dma_wait3A_303] : memref<2x2x128x128xf32, #tpu.memory_space<vmem>> -> memref<1x2x128x128xf32, #tpu.memory_space<vmem>>
    %dma_wait3A_305 = tpu.memref_squeeze %dma_wait3A_304 : memref<1x2x128x128xf32, #tpu.memory_space<vmem>> -> memref<2x128x128xf32, #tpu.memory_space<vmem>>
    %dma_wait3A_306 = arith.constant 0 : i32
    %dma_wait3A_307 = arith.constant 0 : i32
    %dma_wait3A_308 = tpu.memref_slice %dma_wait3A_305[%dma_wait3A_287, %dma_wait3A_306, %dma_wait3A_307] : memref<2x128x128xf32, #tpu.memory_space<vmem>> -> memref<1x128x128xf32, #tpu.memory_space<vmem>>
    %dma_wait3A_309 = tpu.memref_squeeze %dma_wait3A_308 : memref<1x128x128xf32, #tpu.memory_space<vmem>> -> memref<128x128xf32, #tpu.memory_space<vmem>>
    tpu.wait_dma2 semaphore(%arg10 : memref<!tpu.dma_semaphore, #tpu.memory_space<semaphore_mem>>) src(%dma_wait3A_309 : memref<128x128xf32, #tpu.memory_space<vmem>>) dst(%dma_wait3A_300 : memref<128x128xf32, #tpu.memory_space<hbm>>)
    %add3A_310 = arith.constant 1792 : i32
    %add3A_311 = arith.addi %mul3A_2, %add3A_310 : i32
    %dma_wait3A_312 = arith.constant 1 : i32
    %dma_wait3A_313 = arith.constant 0 : i32
    %dma_wait3A_314 = arith.constant 0 : i32
    %dma_wait3A_315 = arith.constant 0 : i32
    %dma_wait3A_316 = arith.constant 0 : i32
    %dma_wait3A_317 = tpu.memref_slice %arg6[%dma_wait3A_312, %dma_wait3A_314, %dma_wait3A_315, %dma_wait3A_316] : memref<2x2x128x128xf32, #tpu.memory_space<vmem>> -> memref<1x2x128x128xf32, #tpu.memory_space<vmem>>
    %dma_wait3A_318 = tpu.memref_squeeze %dma_wait3A_317 : memref<1x2x128x128xf32, #tpu.memory_space<vmem>> -> memref<2x128x128xf32, #tpu.memory_space<vmem>>
    %dma_wait3A_319 = arith.constant 0 : i32
    %dma_wait3A_320 = arith.constant 0 : i32
    %dma_wait3A_321 = tpu.memref_slice %dma_wait3A_318[%dma_wait3A_313, %dma_wait3A_319, %dma_wait3A_320] : memref<2x128x128xf32, #tpu.memory_space<vmem>> -> memref<1x128x128xf32, #tpu.memory_space<vmem>>
    %dma_wait3A_322 = tpu.memref_squeeze %dma_wait3A_321 : memref<1x128x128xf32, #tpu.memory_space<vmem>> -> memref<128x128xf32, #tpu.memory_space<vmem>>
    %dma_wait3A_323 = arith.constant 0 : i32
    %dma_wait3A_324 = tpu.memref_slice %arg4[%add3A_311, %dma_wait3A_323] : memref<65536x128xf32, #tpu.memory_space<hbm>> -> memref<128x128xf32, #tpu.memory_space<hbm>>
    %dma_wait3A_325 = arith.constant 0 : i32
    %dma_wait3A_326 = tpu.memref_slice %arg4[%add3A_311, %dma_wait3A_325] : memref<65536x128xf32, #tpu.memory_space<hbm>> -> memref<128x128xf32, #tpu.memory_space<hbm>>
    %dma_wait3A_327 = arith.constant 0 : i32
    %dma_wait3A_328 = arith.constant 0 : i32
    %dma_wait3A_329 = arith.constant 0 : i32
    %dma_wait3A_330 = tpu.memref_slice %arg6[%dma_wait3A_312, %dma_wait3A_327, %dma_wait3A_328, %dma_wait3A_329] : memref<2x2x128x128xf32, #tpu.memory_space<vmem>> -> memref<1x2x128x128xf32, #tpu.memory_space<vmem>>
    %dma_wait3A_331 = tpu.memref_squeeze %dma_wait3A_330 : memref<1x2x128x128xf32, #tpu.memory_space<vmem>> -> memref<2x128x128xf32, #tpu.memory_space<vmem>>
    %dma_wait3A_332 = arith.constant 0 : i32
    %dma_wait3A_333 = arith.constant 0 : i32
    %dma_wait3A_334 = tpu.memref_slice %dma_wait3A_331[%dma_wait3A_313, %dma_wait3A_332, %dma_wait3A_333] : memref<2x128x128xf32, #tpu.memory_space<vmem>> -> memref<1x128x128xf32, #tpu.memory_space<vmem>>
    %dma_wait3A_335 = tpu.memref_squeeze %dma_wait3A_334 : memref<1x128x128xf32, #tpu.memory_space<vmem>> -> memref<128x128xf32, #tpu.memory_space<vmem>>
    tpu.wait_dma2 semaphore(%arg11 : memref<!tpu.dma_semaphore, #tpu.memory_space<semaphore_mem>>) src(%dma_wait3A_335 : memref<128x128xf32, #tpu.memory_space<vmem>>) dst(%dma_wait3A_326 : memref<128x128xf32, #tpu.memory_space<hbm>>)
    %add3A_336 = arith.constant 1920 : i32
    %add3A_337 = arith.addi %mul3A_2, %add3A_336 : i32
    %dma_wait3A_338 = arith.constant 1 : i32
    %dma_wait3A_339 = arith.constant 1 : i32
    %dma_wait3A_340 = arith.constant 0 : i32
    %dma_wait3A_341 = arith.constant 0 : i32
    %dma_wait3A_342 = arith.constant 0 : i32
    %dma_wait3A_343 = tpu.memref_slice %arg6[%dma_wait3A_338, %dma_wait3A_340, %dma_wait3A_341, %dma_wait3A_342] : memref<2x2x128x128xf32, #tpu.memory_space<vmem>> -> memref<1x2x128x128xf32, #tpu.memory_space<vmem>>
    %dma_wait3A_344 = tpu.memref_squeeze %dma_wait3A_343 : memref<1x2x128x128xf32, #tpu.memory_space<vmem>> -> memref<2x128x128xf32, #tpu.memory_space<vmem>>
    %dma_wait3A_345 = arith.constant 0 : i32
    %dma_wait3A_346 = arith.constant 0 : i32
    %dma_wait3A_347 = tpu.memref_slice %dma_wait3A_344[%dma_wait3A_339, %dma_wait3A_345, %dma_wait3A_346] : memref<2x128x128xf32, #tpu.memory_space<vmem>> -> memref<1x128x128xf32, #tpu.memory_space<vmem>>
    %dma_wait3A_348 = tpu.memref_squeeze %dma_wait3A_347 : memref<1x128x128xf32, #tpu.memory_space<vmem>> -> memref<128x128xf32, #tpu.memory_space<vmem>>
    %dma_wait3A_349 = arith.constant 0 : i32
    %dma_wait3A_350 = tpu.memref_slice %arg4[%add3A_337, %dma_wait3A_349] : memref<65536x128xf32, #tpu.memory_space<hbm>> -> memref<128x128xf32, #tpu.memory_space<hbm>>
    %dma_wait3A_351 = arith.constant 0 : i32
    %dma_wait3A_352 = tpu.memref_slice %arg4[%add3A_337, %dma_wait3A_351] : memref<65536x128xf32, #tpu.memory_space<hbm>> -> memref<128x128xf32, #tpu.memory_space<hbm>>
    %dma_wait3A_353 = arith.constant 0 : i32
    %dma_wait3A_354 = arith.constant 0 : i32
    %dma_wait3A_355 = arith.constant 0 : i32
    %dma_wait3A_356 = tpu.memref_slice %arg6[%dma_wait3A_338, %dma_wait3A_353, %dma_wait3A_354, %dma_wait3A_355] : memref<2x2x128x128xf32, #tpu.memory_space<vmem>> -> memref<1x2x128x128xf32, #tpu.memory_space<vmem>>
    %dma_wait3A_357 = tpu.memref_squeeze %dma_wait3A_356 : memref<1x2x128x128xf32, #tpu.memory_space<vmem>> -> memref<2x128x128xf32, #tpu.memory_space<vmem>>
    %dma_wait3A_358 = arith.constant 0 : i32
    %dma_wait3A_359 = arith.constant 0 : i32
    %dma_wait3A_360 = tpu.memref_slice %dma_wait3A_357[%dma_wait3A_339, %dma_wait3A_358, %dma_wait3A_359] : memref<2x128x128xf32, #tpu.memory_space<vmem>> -> memref<1x128x128xf32, #tpu.memory_space<vmem>>
    %dma_wait3A_361 = tpu.memref_squeeze %dma_wait3A_360 : memref<1x128x128xf32, #tpu.memory_space<vmem>> -> memref<128x128xf32, #tpu.memory_space<vmem>>
    tpu.wait_dma2 semaphore(%arg11 : memref<!tpu.dma_semaphore, #tpu.memory_space<semaphore_mem>>) src(%dma_wait3A_361 : memref<128x128xf32, #tpu.memory_space<vmem>>) dst(%dma_wait3A_352 : memref<128x128xf32, #tpu.memory_space<hbm>>)
    return
  }
}

module attributes {stable_mosaic.version = 14 : i64} {
  func.func @_pair_table_body(%arg0: memref<25x64xf32, #tpu.memory_space<vmem>>, %arg1: memref<25x4xf32, #tpu.memory_space<vmem>>, %arg2: memref<64x4xf32, #tpu.memory_space<vmem>>, %arg3: memref<1x64xf32, #tpu.memory_space<vmem>>, %arg4: memref<64x128xf32, #tpu.memory_space<vmem>>, %arg5: memref<1x64xf32, #tpu.memory_space<vmem>>, %arg6: memref<64x2048xi32, #tpu.memory_space<vmem>>, %arg7: memref<640x128xf32, #tpu.memory_space<vmem>>, %arg8: memref<1024x64xi32, #tpu.memory_space<vmem>>) attributes {dimension_semantics = [], scalar_prefetch = 0 : i64, scratch_operands = 0 : i64, tpu.core_type = #tpu.core_type<tc>} {
    %get3A = arith.constant 0 : index
    %get3A_0 = arith.constant 0 : index
    %get3A_1 = vector.load %arg6[%get3A, %get3A_0] : memref<64x2048xi32, #tpu.memory_space<vmem>>, vector<64x2048xi32>
    %reshape3A = vector.shape_cast %get3A_1 : vector<64x2048xi32> to vector<64x16x128xi32>
    %slice3A = vector.extract_strided_slice %reshape3A {offsets = [0, 0, 0], sizes = [64, 16, 64], strides = [1, 1, 1]} : vector<64x16x128xi32> to vector<64x16x64xi32>
    %mul3A = arith.constant 25 : i32
    %mul3A_2 = vector.broadcast %mul3A : i32 to vector<64x16x64xi32>
    %mul3A_3 = arith.muli %slice3A, %mul3A_2 : vector<64x16x64xi32>
    %slice3A_4 = vector.extract_strided_slice %reshape3A {offsets = [0, 0, 64], sizes = [64, 16, 64], strides = [1, 1, 1]} : vector<64x16x128xi32> to vector<64x16x64xi32>
    %add3A = arith.addi %mul3A_3, %slice3A_4 : vector<64x16x64xi32>
    %reshape3A_5 = vector.shape_cast %add3A : vector<64x16x64xi32> to vector<1024x64xi32>
    %swap3A = arith.constant 0 : index
    %swap3A_6 = arith.constant 0 : index
    %swap3A_7 = vector.load %arg8[%swap3A, %swap3A_6] : memref<1024x64xi32, #tpu.memory_space<vmem>>, vector<1024x64xi32>
    tpu.vector_store %arg8[%swap3A, %swap3A_6], %reshape3A_5 {strides = array<i32>} : memref<1024x64xi32, #tpu.memory_space<vmem>>, vector<1024x64xi32>,
    %get3A_8 = arith.constant 0 : index
    %get3A_9 = arith.constant 0 : index
    %get3A_10 = vector.load %arg1[%get3A_8, %get3A_9] : memref<25x4xf32, #tpu.memory_space<vmem>>, vector<25x4xf32>
    %get3A_11 = arith.constant 0 : index
    %get3A_12 = arith.constant 0 : index
    %get3A_13 = vector.load %arg2[%get3A_11, %get3A_12] : memref<64x4xf32, #tpu.memory_space<vmem>>, vector<64x4xf32>
    %dot_general3A = arith.constant dense<0.000000e+00> : vector<25x64xf32>
    %dot_general3A_14 = tpu.matmul %get3A_10, %get3A_13, %dot_general3A {dimension_numbers = #tpu.dot_dimension_numbers<[1], [1], [0], [0], [0, 0, 1, 0], [], []>, transpose_lhs_hint = false} : vector<25x4xf32>, vector<64x4xf32>, vector<25x64xf32> -> vector<25x64xf32>
    %get3A_15 = arith.constant 0 : index
    %get3A_16 = arith.constant 0 : index
    %get3A_17 = vector.load %arg3[%get3A_15, %get3A_16] : memref<1x64xf32, #tpu.memory_space<vmem>>, vector<1x64xf32>
    %add3A_18 = vector.broadcast %get3A_17 : vector<1x64xf32> to vector<25x64xf32>
    %add3A_19 = arith.addf %dot_general3A_14, %add3A_18 : vector<25x64xf32>
    %get3A_20 = arith.constant 0 : index
    %get3A_21 = arith.constant 0 : index
    %get3A_22 = vector.load %arg0[%get3A_20, %get3A_21] : memref<25x64xf32, #tpu.memory_space<vmem>>, vector<25x64xf32>
    %concatenate3A = tpu.concatenate %get3A_22, %add3A_19 in 1 : vector<25x64xf32>, vector<25x64xf32> -> vector<25x128xf32>
    %get3A_23 = arith.constant 0 : index
    %get3A_24 = arith.constant 0 : index
    %get3A_25 = vector.load %arg4[%get3A_23, %get3A_24] : memref<64x128xf32, #tpu.memory_space<vmem>>, vector<64x128xf32>
    %dot_general3A_26 = arith.constant dense<0.000000e+00> : vector<25x64xf32>
    %dot_general3A_27 = tpu.matmul %concatenate3A, %get3A_25, %dot_general3A_26 {dimension_numbers = #tpu.dot_dimension_numbers<[1], [1], [0], [0], [0, 0, 1, 0], [], []>, transpose_lhs_hint = false} : vector<25x128xf32>, vector<64x128xf32>, vector<25x64xf32> -> vector<25x64xf32>
    %get3A_28 = arith.constant 0 : index
    %get3A_29 = arith.constant 0 : index
    %get3A_30 = vector.load %arg5[%get3A_28, %get3A_29] : memref<1x64xf32, #tpu.memory_space<vmem>>, vector<1x64xf32>
    %add3A_31 = vector.broadcast %get3A_30 : vector<1x64xf32> to vector<25x64xf32>
    %add3A_32 = arith.addf %dot_general3A_27, %add3A_31 : vector<25x64xf32>
    %iota3A = tpu.iota {dimensions = array<i32: 0>} : vector<640x25xi32>
    %iota3A_33 = tpu.iota {dimensions = array<i32: 1>} : vector<640x25xi32>
    %jit3A = arith.constant 25 : i32
    %div3A = vector.broadcast %jit3A : i32 to vector<640x25xi32>
    %div3A_34 = arith.divsi %iota3A, %div3A : vector<640x25xi32>
    %sign3A = arith.constant 0 : i32
    %sign3A_35 = vector.broadcast %sign3A : i32 to vector<640x25xi32>
    %sign3A_36 = arith.cmpi sgt, %iota3A, %sign3A_35 : vector<640x25xi32>
    %sign3A_37 = arith.extui %sign3A_36 : vector<640x25xi1> to vector<640x25xi32>
    %sign3A_38 = arith.constant 0 : i32
    %sign3A_39 = vector.broadcast %sign3A_38 : i32 to vector<640x25xi32>
    %sign3A_40 = arith.cmpi slt, %iota3A, %sign3A_39 : vector<640x25xi32>
    %sign3A_41 = arith.extui %sign3A_40 : vector<640x25xi1> to vector<640x25xi32>
    %sign3A_42 = arith.subi %sign3A_37, %sign3A_41 : vector<640x25xi32>
    %sign3A_43 = arith.constant 0 : i32
    %sign3A_44 = arith.cmpi sgt, %jit3A, %sign3A_43 : i32
    %sign3A_45 = arith.extui %sign3A_44 : i1 to i32
    %sign3A_46 = arith.constant 0 : i32
    %sign3A_47 = arith.cmpi slt, %jit3A, %sign3A_46 : i32
    %sign3A_48 = arith.extui %sign3A_47 : i1 to i32
    %sign3A_49 = arith.subi %sign3A_45, %sign3A_48 : i32
    %ne3A = vector.broadcast %sign3A_49 : i32 to vector<640x25xi32>
    %ne3A_50 = arith.cmpi ne, %sign3A_42, %ne3A : vector<640x25xi32>
    %rem3A = vector.broadcast %jit3A : i32 to vector<640x25xi32>
    %rem3A_51 = arith.remsi %iota3A, %rem3A : vector<640x25xi32>
    %ne3A_52 = arith.constant 0 : i32
    %ne3A_53 = vector.broadcast %ne3A_52 : i32 to vector<640x25xi32>
    %ne3A_54 = arith.cmpi ne, %rem3A_51, %ne3A_53 : vector<640x25xi32>
    %and3A = arith.andi %ne3A_50, %ne3A_54 : vector<640x25xi1>
    %sub3A = arith.constant 1 : i32
    %sub3A_55 = vector.broadcast %sub3A : i32 to vector<640x25xi32>
    %sub3A_56 = arith.subi %div3A_34, %sub3A_55 : vector<640x25xi32>
    %select_n3A = arith.select %and3A, %sub3A_56, %div3A_34 : vector<640x25xi1>, vector<640x25xi32>
    %eq3A = arith.cmpi eq, %select_n3A, %iota3A_33 : vector<640x25xi32>
    %convert_element_type3A = arith.extui %eq3A : vector<640x25xi1> to vector<640x25xi32>
    %convert_element_type3A_57 = arith.sitofp %convert_element_type3A : vector<640x25xi32> to vector<640x25xf32>
    %jit3A_58 = arith.constant 25 : i32
    %eq3A_59 = arith.constant 0 : i32
    %eq3A_60 = arith.cmpi eq, %jit3A_58, %eq3A_59 : i32
    %jit3A_61 = arith.constant 1 : i32
    %select_n3A_62 = arith.select %eq3A_60, %jit3A_61, %jit3A_58 : i32
    %rem3A_63 = vector.broadcast %select_n3A_62 : i32 to vector<640x25xi32>
    %rem3A_64 = arith.remsi %iota3A, %rem3A_63 : vector<640x25xi32>
    %ne3A_65 = arith.constant 0 : i32
    %ne3A_66 = vector.broadcast %ne3A_65 : i32 to vector<640x25xi32>
    %ne3A_67 = arith.cmpi ne, %rem3A_64, %ne3A_66 : vector<640x25xi32>
    %lt3A = arith.constant 0 : i32
    %lt3A_68 = vector.broadcast %lt3A : i32 to vector<640x25xi32>
    %lt3A_69 = arith.cmpi slt, %rem3A_64, %lt3A_68 : vector<640x25xi32>
    %lt3A_70 = arith.constant 0 : i32
    %lt3A_71 = arith.cmpi slt, %select_n3A_62, %lt3A_70 : i32
    %ne3A_72 = vector.broadcast %lt3A_71 : i1 to vector<640x25xi1>
    %ne3A_73 = vector.broadcast %ne3A_72 : vector<640x25xi1> to vector<640x25xi1>
    %ne3A_74 = arith.xori %lt3A_69, %ne3A_73 : vector<640x25xi1>
    %and3A_75 = arith.andi %ne3A_74, %ne3A_67 : vector<640x25xi1>
    %add3A_76 = vector.broadcast %select_n3A_62 : i32 to vector<640x25xi32>
    %add3A_77 = arith.addi %rem3A_64, %add3A_76 : vector<640x25xi32>
    %select_n3A_78 = arith.select %and3A_75, %add3A_77, %rem3A_64 : vector<640x25xi1>, vector<640x25xi32>
    %eq3A_79 = arith.cmpi eq, %select_n3A_78, %iota3A_33 : vector<640x25xi32>
    %convert_element_type3A_80 = arith.extui %eq3A_79 : vector<640x25xi1> to vector<640x25xi32>
    %convert_element_type3A_81 = arith.sitofp %convert_element_type3A_80 : vector<640x25xi32> to vector<640x25xf32>
    %dot_general3A_82 = arith.constant dense<0.000000e+00> : vector<640x64xf32>
    %dot_general3A_83 = tpu.matmul %convert_element_type3A_57, %add3A_32, %dot_general3A_82 {dimension_numbers = #tpu.dot_dimension_numbers<[1], [0], [0], [1], [0, 0, 1, 1], [], []>, precision = #tpu.contract_precision<fp32>, transpose_lhs_hint = false} : vector<640x25xf32>, vector<25x64xf32>, vector<640x64xf32> -> vector<640x64xf32>
    %dot_general3A_84 = arith.constant dense<0.000000e+00> : vector<640x64xf32>
    %dot_general3A_85 = tpu.matmul %convert_element_type3A_81, %add3A_32, %dot_general3A_84 {dimension_numbers = #tpu.dot_dimension_numbers<[1], [0], [0], [1], [0, 0, 1, 1], [], []>, precision = #tpu.contract_precision<fp32>, transpose_lhs_hint = false} : vector<640x25xf32>, vector<25x64xf32>, vector<640x64xf32> -> vector<640x64xf32>
    %concatenate3A_86 = tpu.concatenate %dot_general3A_83, %dot_general3A_85 in 1 : vector<640x64xf32>, vector<640x64xf32> -> vector<640x128xf32>
    %swap3A_87 = arith.constant 0 : index
    %swap3A_88 = arith.constant 0 : index
    %swap3A_89 = vector.load %arg7[%swap3A_87, %swap3A_88] : memref<640x128xf32, #tpu.memory_space<vmem>>, vector<640x128xf32>
    tpu.vector_store %arg7[%swap3A_87, %swap3A_88], %concatenate3A_86 {strides = array<i32>} : memref<640x128xf32, #tpu.memory_space<vmem>>, vector<640x128xf32>,
    return
  }
}

module attributes {stable_mosaic.version = 14 : i64} {
  func.func @_unpack_body(%arg0: i32, %arg1: i32, %arg2: memref<256x128xbf16, #tpu.memory_space<vmem>>, %arg3: memref<1024x128xf32, #tpu.memory_space<vmem>>, %arg4: memref<1x64x2048xf32, #tpu.memory_space<vmem>>) attributes {dimension_semantics = [#tpu.dimension_semantics<parallel>, #tpu.dimension_semantics<parallel>], iteration_bounds = array<i64: 64, 1>, scalar_prefetch = 0 : i64, scratch_operands = 0 : i64, tpu.core_type = #tpu.core_type<tc>, window_params = [{pipeline_mode = #tpu.pipeline_mode<synchronous>, transform_indices = @transform_0, window_bounds = array<i64: 256, 128>}, {transform_indices = @transform_1, window_bounds = array<i64: 1024, 128>}, {transform_indices = @transform_2, window_bounds = array<i64: 1, 64, 2048>}]} {
    %get3A = arith.constant 0 : index
    %get3A_0 = arith.constant 0 : index
    %get3A_1 = vector.load %arg2[%get3A, %get3A_0] : memref<256x128xbf16, #tpu.memory_space<vmem>>, vector<256x128xbf16>
    %get3A_2 = arith.constant 0 : index
    %get3A_3 = arith.constant 0 : index
    %get3A_4 = vector.load %arg3[%get3A_2, %get3A_3] : memref<1024x128xf32, #tpu.memory_space<vmem>>, vector<64x128xf32>
    %slice3A = vector.extract_strided_slice %get3A_4 {offsets = [0, 0], sizes = [64, 64], strides = [1, 1]} : vector<64x128xf32> to vector<64x64xf32>
    %convert_element_type3A = arith.truncf %slice3A : vector<64x64xf32> to vector<64x64xbf16>
    %convert_element_type3A_5 = arith.extf %convert_element_type3A : vector<64x64xbf16> to vector<64x64xf32>
    %sub3A = arith.subf %slice3A, %convert_element_type3A_5 : vector<64x64xf32>
    %convert_element_type3A_6 = arith.truncf %sub3A : vector<64x64xf32> to vector<64x64xbf16>
    %slice3A_7 = vector.extract_strided_slice %get3A_4 {offsets = [0, 64], sizes = [64, 64], strides = [1, 1]} : vector<64x128xf32> to vector<64x64xf32>
    %convert_element_type3A_8 = arith.truncf %slice3A_7 : vector<64x64xf32> to vector<64x64xbf16>
    %convert_element_type3A_9 = arith.extf %convert_element_type3A_8 : vector<64x64xbf16> to vector<64x64xf32>
    %sub3A_10 = arith.subf %slice3A_7, %convert_element_type3A_9 : vector<64x64xf32>
    %convert_element_type3A_11 = arith.truncf %sub3A_10 : vector<64x64xf32> to vector<64x64xbf16>
    %concatenate3A = tpu.concatenate %convert_element_type3A, %convert_element_type3A_6, %convert_element_type3A_8, %convert_element_type3A_11 in 0 : vector<64x64xbf16>, vector<64x64xbf16>, vector<64x64xbf16>, vector<64x64xbf16> -> vector<256x64xbf16>
    %dot_general3A = arith.constant dense<0.000000e+00> : vector<64x128xf32>
    %dot_general3A_12 = tpu.matmul %concatenate3A, %get3A_1, %dot_general3A {dimension_numbers = #tpu.dot_dimension_numbers<[0], [0], [1], [1], [0, 1, 1, 1], [], []>, transpose_lhs_hint = true} : vector<256x64xbf16>, vector<256x128xbf16>, vector<64x128xf32> -> vector<64x128xf32>
    %swap3A = arith.constant 0 : index
    %swap3A_13 = arith.constant 0 : index
    %swap3A_14 = arith.constant 0 : index
    %swap3A_15 = vector.load %arg4[%swap3A, %swap3A_13, %swap3A_14] : memref<1x64x2048xf32, #tpu.memory_space<vmem>>, vector<1x64x128xf32>
    %swap3A_16 = vector.shape_cast %swap3A_15 : vector<1x64x128xf32> to vector<64x128xf32>
    %swap3A_17 = vector.shape_cast %dot_general3A_12 : vector<64x128xf32> to vector<1x64x128xf32>
    tpu.vector_store %arg4[%swap3A, %swap3A_13, %swap3A_14], %swap3A_17 {strides = array<i32>} : memref<1x64x2048xf32, #tpu.memory_space<vmem>>, vector<1x64x128xf32>,
    %get3A_18 = arith.constant 64 : index
    %get3A_19 = arith.constant 0 : index
    %get3A_20 = vector.load %arg3[%get3A_18, %get3A_19] : memref<1024x128xf32, #tpu.memory_space<vmem>>, vector<64x128xf32>
    %slice3A_21 = vector.extract_strided_slice %get3A_20 {offsets = [0, 0], sizes = [64, 64], strides = [1, 1]} : vector<64x128xf32> to vector<64x64xf32>
    %convert_element_type3A_22 = arith.truncf %slice3A_21 : vector<64x64xf32> to vector<64x64xbf16>
    %convert_element_type3A_23 = arith.extf %convert_element_type3A_22 : vector<64x64xbf16> to vector<64x64xf32>
    %sub3A_24 = arith.subf %slice3A_21, %convert_element_type3A_23 : vector<64x64xf32>
    %convert_element_type3A_25 = arith.truncf %sub3A_24 : vector<64x64xf32> to vector<64x64xbf16>
    %slice3A_26 = vector.extract_strided_slice %get3A_20 {offsets = [0, 64], sizes = [64, 64], strides = [1, 1]} : vector<64x128xf32> to vector<64x64xf32>
    %convert_element_type3A_27 = arith.truncf %slice3A_26 : vector<64x64xf32> to vector<64x64xbf16>
    %convert_element_type3A_28 = arith.extf %convert_element_type3A_27 : vector<64x64xbf16> to vector<64x64xf32>
    %sub3A_29 = arith.subf %slice3A_26, %convert_element_type3A_28 : vector<64x64xf32>
    %convert_element_type3A_30 = arith.truncf %sub3A_29 : vector<64x64xf32> to vector<64x64xbf16>
    %concatenate3A_31 = tpu.concatenate %convert_element_type3A_22, %convert_element_type3A_25, %convert_element_type3A_27, %convert_element_type3A_30 in 0 : vector<64x64xbf16>, vector<64x64xbf16>, vector<64x64xbf16>, vector<64x64xbf16> -> vector<256x64xbf16>
    %dot_general3A_32 = arith.constant dense<0.000000e+00> : vector<64x128xf32>
    %dot_general3A_33 = tpu.matmul %concatenate3A_31, %get3A_1, %dot_general3A_32 {dimension_numbers = #tpu.dot_dimension_numbers<[0], [0], [1], [1], [0, 1, 1, 1], [], []>, transpose_lhs_hint = true} : vector<256x64xbf16>, vector<256x128xbf16>, vector<64x128xf32> -> vector<64x128xf32>
    %swap3A_34 = arith.constant 0 : index
    %swap3A_35 = arith.constant 0 : index
    %swap3A_36 = arith.constant 128 : index
    %swap3A_37 = vector.load %arg4[%swap3A_34, %swap3A_35, %swap3A_36] : memref<1x64x2048xf32, #tpu.memory_space<vmem>>, vector<1x64x128xf32>
    %swap3A_38 = vector.shape_cast %swap3A_37 : vector<1x64x128xf32> to vector<64x128xf32>
    %swap3A_39 = vector.shape_cast %dot_general3A_33 : vector<64x128xf32> to vector<1x64x128xf32>
    tpu.vector_store %arg4[%swap3A_34, %swap3A_35, %swap3A_36], %swap3A_39 {strides = array<i32>} : memref<1x64x2048xf32, #tpu.memory_space<vmem>>, vector<1x64x128xf32>,
    %get3A_40 = arith.constant 128 : index
    %get3A_41 = arith.constant 0 : index
    %get3A_42 = vector.load %arg3[%get3A_40, %get3A_41] : memref<1024x128xf32, #tpu.memory_space<vmem>>, vector<64x128xf32>
    %slice3A_43 = vector.extract_strided_slice %get3A_42 {offsets = [0, 0], sizes = [64, 64], strides = [1, 1]} : vector<64x128xf32> to vector<64x64xf32>
    %convert_element_type3A_44 = arith.truncf %slice3A_43 : vector<64x64xf32> to vector<64x64xbf16>
    %convert_element_type3A_45 = arith.extf %convert_element_type3A_44 : vector<64x64xbf16> to vector<64x64xf32>
    %sub3A_46 = arith.subf %slice3A_43, %convert_element_type3A_45 : vector<64x64xf32>
    %convert_element_type3A_47 = arith.truncf %sub3A_46 : vector<64x64xf32> to vector<64x64xbf16>
    %slice3A_48 = vector.extract_strided_slice %get3A_42 {offsets = [0, 64], sizes = [64, 64], strides = [1, 1]} : vector<64x128xf32> to vector<64x64xf32>
    %convert_element_type3A_49 = arith.truncf %slice3A_48 : vector<64x64xf32> to vector<64x64xbf16>
    %convert_element_type3A_50 = arith.extf %convert_element_type3A_49 : vector<64x64xbf16> to vector<64x64xf32>
    %sub3A_51 = arith.subf %slice3A_48, %convert_element_type3A_50 : vector<64x64xf32>
    %convert_element_type3A_52 = arith.truncf %sub3A_51 : vector<64x64xf32> to vector<64x64xbf16>
    %concatenate3A_53 = tpu.concatenate %convert_element_type3A_44, %convert_element_type3A_47, %convert_element_type3A_49, %convert_element_type3A_52 in 0 : vector<64x64xbf16>, vector<64x64xbf16>, vector<64x64xbf16>, vector<64x64xbf16> -> vector<256x64xbf16>
    %dot_general3A_54 = arith.constant dense<0.000000e+00> : vector<64x128xf32>
    %dot_general3A_55 = tpu.matmul %concatenate3A_53, %get3A_1, %dot_general3A_54 {dimension_numbers = #tpu.dot_dimension_numbers<[0], [0], [1], [1], [0, 1, 1, 1], [], []>, transpose_lhs_hint = true} : vector<256x64xbf16>, vector<256x128xbf16>, vector<64x128xf32> -> vector<64x128xf32>
    %swap3A_56 = arith.constant 0 : index
    %swap3A_57 = arith.constant 0 : index
    %swap3A_58 = arith.constant 256 : index
    %swap3A_59 = vector.load %arg4[%swap3A_56, %swap3A_57, %swap3A_58] : memref<1x64x2048xf32, #tpu.memory_space<vmem>>, vector<1x64x128xf32>
    %swap3A_60 = vector.shape_cast %swap3A_59 : vector<1x64x128xf32> to vector<64x128xf32>
    %swap3A_61 = vector.shape_cast %dot_general3A_55 : vector<64x128xf32> to vector<1x64x128xf32>
    tpu.vector_store %arg4[%swap3A_56, %swap3A_57, %swap3A_58], %swap3A_61 {strides = array<i32>} : memref<1x64x2048xf32, #tpu.memory_space<vmem>>, vector<1x64x128xf32>,
    %get3A_62 = arith.constant 192 : index
    %get3A_63 = arith.constant 0 : index
    %get3A_64 = vector.load %arg3[%get3A_62, %get3A_63] : memref<1024x128xf32, #tpu.memory_space<vmem>>, vector<64x128xf32>
    %slice3A_65 = vector.extract_strided_slice %get3A_64 {offsets = [0, 0], sizes = [64, 64], strides = [1, 1]} : vector<64x128xf32> to vector<64x64xf32>
    %convert_element_type3A_66 = arith.truncf %slice3A_65 : vector<64x64xf32> to vector<64x64xbf16>
    %convert_element_type3A_67 = arith.extf %convert_element_type3A_66 : vector<64x64xbf16> to vector<64x64xf32>
    %sub3A_68 = arith.subf %slice3A_65, %convert_element_type3A_67 : vector<64x64xf32>
    %convert_element_type3A_69 = arith.truncf %sub3A_68 : vector<64x64xf32> to vector<64x64xbf16>
    %slice3A_70 = vector.extract_strided_slice %get3A_64 {offsets = [0, 64], sizes = [64, 64], strides = [1, 1]} : vector<64x128xf32> to vector<64x64xf32>
    %convert_element_type3A_71 = arith.truncf %slice3A_70 : vector<64x64xf32> to vector<64x64xbf16>
    %convert_element_type3A_72 = arith.extf %convert_element_type3A_71 : vector<64x64xbf16> to vector<64x64xf32>
    %sub3A_73 = arith.subf %slice3A_70, %convert_element_type3A_72 : vector<64x64xf32>
    %convert_element_type3A_74 = arith.truncf %sub3A_73 : vector<64x64xf32> to vector<64x64xbf16>
    %concatenate3A_75 = tpu.concatenate %convert_element_type3A_66, %convert_element_type3A_69, %convert_element_type3A_71, %convert_element_type3A_74 in 0 : vector<64x64xbf16>, vector<64x64xbf16>, vector<64x64xbf16>, vector<64x64xbf16> -> vector<256x64xbf16>
    %dot_general3A_76 = arith.constant dense<0.000000e+00> : vector<64x128xf32>
    %dot_general3A_77 = tpu.matmul %concatenate3A_75, %get3A_1, %dot_general3A_76 {dimension_numbers = #tpu.dot_dimension_numbers<[0], [0], [1], [1], [0, 1, 1, 1], [], []>, transpose_lhs_hint = true} : vector<256x64xbf16>, vector<256x128xbf16>, vector<64x128xf32> -> vector<64x128xf32>
    %swap3A_78 = arith.constant 0 : index
    %swap3A_79 = arith.constant 0 : index
    %swap3A_80 = arith.constant 384 : index
    %swap3A_81 = vector.load %arg4[%swap3A_78, %swap3A_79, %swap3A_80] : memref<1x64x2048xf32, #tpu.memory_space<vmem>>, vector<1x64x128xf32>
    %swap3A_82 = vector.shape_cast %swap3A_81 : vector<1x64x128xf32> to vector<64x128xf32>
    %swap3A_83 = vector.shape_cast %dot_general3A_77 : vector<64x128xf32> to vector<1x64x128xf32>
    tpu.vector_store %arg4[%swap3A_78, %swap3A_79, %swap3A_80], %swap3A_83 {strides = array<i32>} : memref<1x64x2048xf32, #tpu.memory_space<vmem>>, vector<1x64x128xf32>,
    %get3A_84 = arith.constant 256 : index
    %get3A_85 = arith.constant 0 : index
    %get3A_86 = vector.load %arg3[%get3A_84, %get3A_85] : memref<1024x128xf32, #tpu.memory_space<vmem>>, vector<64x128xf32>
    %slice3A_87 = vector.extract_strided_slice %get3A_86 {offsets = [0, 0], sizes = [64, 64], strides = [1, 1]} : vector<64x128xf32> to vector<64x64xf32>
    %convert_element_type3A_88 = arith.truncf %slice3A_87 : vector<64x64xf32> to vector<64x64xbf16>
    %convert_element_type3A_89 = arith.extf %convert_element_type3A_88 : vector<64x64xbf16> to vector<64x64xf32>
    %sub3A_90 = arith.subf %slice3A_87, %convert_element_type3A_89 : vector<64x64xf32>
    %convert_element_type3A_91 = arith.truncf %sub3A_90 : vector<64x64xf32> to vector<64x64xbf16>
    %slice3A_92 = vector.extract_strided_slice %get3A_86 {offsets = [0, 64], sizes = [64, 64], strides = [1, 1]} : vector<64x128xf32> to vector<64x64xf32>
    %convert_element_type3A_93 = arith.truncf %slice3A_92 : vector<64x64xf32> to vector<64x64xbf16>
    %convert_element_type3A_94 = arith.extf %convert_element_type3A_93 : vector<64x64xbf16> to vector<64x64xf32>
    %sub3A_95 = arith.subf %slice3A_92, %convert_element_type3A_94 : vector<64x64xf32>
    %convert_element_type3A_96 = arith.truncf %sub3A_95 : vector<64x64xf32> to vector<64x64xbf16>
    %concatenate3A_97 = tpu.concatenate %convert_element_type3A_88, %convert_element_type3A_91, %convert_element_type3A_93, %convert_element_type3A_96 in 0 : vector<64x64xbf16>, vector<64x64xbf16>, vector<64x64xbf16>, vector<64x64xbf16> -> vector<256x64xbf16>
    %dot_general3A_98 = arith.constant dense<0.000000e+00> : vector<64x128xf32>
    %dot_general3A_99 = tpu.matmul %concatenate3A_97, %get3A_1, %dot_general3A_98 {dimension_numbers = #tpu.dot_dimension_numbers<[0], [0], [1], [1], [0, 1, 1, 1], [], []>, transpose_lhs_hint = true} : vector<256x64xbf16>, vector<256x128xbf16>, vector<64x128xf32> -> vector<64x128xf32>
    %swap3A_100 = arith.constant 0 : index
    %swap3A_101 = arith.constant 0 : index
    %swap3A_102 = arith.constant 512 : index
    %swap3A_103 = vector.load %arg4[%swap3A_100, %swap3A_101, %swap3A_102] : memref<1x64x2048xf32, #tpu.memory_space<vmem>>, vector<1x64x128xf32>
    %swap3A_104 = vector.shape_cast %swap3A_103 : vector<1x64x128xf32> to vector<64x128xf32>
    %swap3A_105 = vector.shape_cast %dot_general3A_99 : vector<64x128xf32> to vector<1x64x128xf32>
    tpu.vector_store %arg4[%swap3A_100, %swap3A_101, %swap3A_102], %swap3A_105 {strides = array<i32>} : memref<1x64x2048xf32, #tpu.memory_space<vmem>>, vector<1x64x128xf32>,
    %get3A_106 = arith.constant 320 : index
    %get3A_107 = arith.constant 0 : index
    %get3A_108 = vector.load %arg3[%get3A_106, %get3A_107] : memref<1024x128xf32, #tpu.memory_space<vmem>>, vector<64x128xf32>
    %slice3A_109 = vector.extract_strided_slice %get3A_108 {offsets = [0, 0], sizes = [64, 64], strides = [1, 1]} : vector<64x128xf32> to vector<64x64xf32>
    %convert_element_type3A_110 = arith.truncf %slice3A_109 : vector<64x64xf32> to vector<64x64xbf16>
    %convert_element_type3A_111 = arith.extf %convert_element_type3A_110 : vector<64x64xbf16> to vector<64x64xf32>
    %sub3A_112 = arith.subf %slice3A_109, %convert_element_type3A_111 : vector<64x64xf32>
    %convert_element_type3A_113 = arith.truncf %sub3A_112 : vector<64x64xf32> to vector<64x64xbf16>
    %slice3A_114 = vector.extract_strided_slice %get3A_108 {offsets = [0, 64], sizes = [64, 64], strides = [1, 1]} : vector<64x128xf32> to vector<64x64xf32>
    %convert_element_type3A_115 = arith.truncf %slice3A_114 : vector<64x64xf32> to vector<64x64xbf16>
    %convert_element_type3A_116 = arith.extf %convert_element_type3A_115 : vector<64x64xbf16> to vector<64x64xf32>
    %sub3A_117 = arith.subf %slice3A_114, %convert_element_type3A_116 : vector<64x64xf32>
    %convert_element_type3A_118 = arith.truncf %sub3A_117 : vector<64x64xf32> to vector<64x64xbf16>
    %concatenate3A_119 = tpu.concatenate %convert_element_type3A_110, %convert_element_type3A_113, %convert_element_type3A_115, %convert_element_type3A_118 in 0 : vector<64x64xbf16>, vector<64x64xbf16>, vector<64x64xbf16>, vector<64x64xbf16> -> vector<256x64xbf16>
    %dot_general3A_120 = arith.constant dense<0.000000e+00> : vector<64x128xf32>
    %dot_general3A_121 = tpu.matmul %concatenate3A_119, %get3A_1, %dot_general3A_120 {dimension_numbers = #tpu.dot_dimension_numbers<[0], [0], [1], [1], [0, 1, 1, 1], [], []>, transpose_lhs_hint = true} : vector<256x64xbf16>, vector<256x128xbf16>, vector<64x128xf32> -> vector<64x128xf32>
    %swap3A_122 = arith.constant 0 : index
    %swap3A_123 = arith.constant 0 : index
    %swap3A_124 = arith.constant 640 : index
    %swap3A_125 = vector.load %arg4[%swap3A_122, %swap3A_123, %swap3A_124] : memref<1x64x2048xf32, #tpu.memory_space<vmem>>, vector<1x64x128xf32>
    %swap3A_126 = vector.shape_cast %swap3A_125 : vector<1x64x128xf32> to vector<64x128xf32>
    %swap3A_127 = vector.shape_cast %dot_general3A_121 : vector<64x128xf32> to vector<1x64x128xf32>
    tpu.vector_store %arg4[%swap3A_122, %swap3A_123, %swap3A_124], %swap3A_127 {strides = array<i32>} : memref<1x64x2048xf32, #tpu.memory_space<vmem>>, vector<1x64x128xf32>,
    %get3A_128 = arith.constant 384 : index
    %get3A_129 = arith.constant 0 : index
    %get3A_130 = vector.load %arg3[%get3A_128, %get3A_129] : memref<1024x128xf32, #tpu.memory_space<vmem>>, vector<64x128xf32>
    %slice3A_131 = vector.extract_strided_slice %get3A_130 {offsets = [0, 0], sizes = [64, 64], strides = [1, 1]} : vector<64x128xf32> to vector<64x64xf32>
    %convert_element_type3A_132 = arith.truncf %slice3A_131 : vector<64x64xf32> to vector<64x64xbf16>
    %convert_element_type3A_133 = arith.extf %convert_element_type3A_132 : vector<64x64xbf16> to vector<64x64xf32>
    %sub3A_134 = arith.subf %slice3A_131, %convert_element_type3A_133 : vector<64x64xf32>
    %convert_element_type3A_135 = arith.truncf %sub3A_134 : vector<64x64xf32> to vector<64x64xbf16>
    %slice3A_136 = vector.extract_strided_slice %get3A_130 {offsets = [0, 64], sizes = [64, 64], strides = [1, 1]} : vector<64x128xf32> to vector<64x64xf32>
    %convert_element_type3A_137 = arith.truncf %slice3A_136 : vector<64x64xf32> to vector<64x64xbf16>
    %convert_element_type3A_138 = arith.extf %convert_element_type3A_137 : vector<64x64xbf16> to vector<64x64xf32>
    %sub3A_139 = arith.subf %slice3A_136, %convert_element_type3A_138 : vector<64x64xf32>
    %convert_element_type3A_140 = arith.truncf %sub3A_139 : vector<64x64xf32> to vector<64x64xbf16>
    %concatenate3A_141 = tpu.concatenate %convert_element_type3A_132, %convert_element_type3A_135, %convert_element_type3A_137, %convert_element_type3A_140 in 0 : vector<64x64xbf16>, vector<64x64xbf16>, vector<64x64xbf16>, vector<64x64xbf16> -> vector<256x64xbf16>
    %dot_general3A_142 = arith.constant dense<0.000000e+00> : vector<64x128xf32>
    %dot_general3A_143 = tpu.matmul %concatenate3A_141, %get3A_1, %dot_general3A_142 {dimension_numbers = #tpu.dot_dimension_numbers<[0], [0], [1], [1], [0, 1, 1, 1], [], []>, transpose_lhs_hint = true} : vector<256x64xbf16>, vector<256x128xbf16>, vector<64x128xf32> -> vector<64x128xf32>
    %swap3A_144 = arith.constant 0 : index
    %swap3A_145 = arith.constant 0 : index
    %swap3A_146 = arith.constant 768 : index
    %swap3A_147 = vector.load %arg4[%swap3A_144, %swap3A_145, %swap3A_146] : memref<1x64x2048xf32, #tpu.memory_space<vmem>>, vector<1x64x128xf32>
    %swap3A_148 = vector.shape_cast %swap3A_147 : vector<1x64x128xf32> to vector<64x128xf32>
    %swap3A_149 = vector.shape_cast %dot_general3A_143 : vector<64x128xf32> to vector<1x64x128xf32>
    tpu.vector_store %arg4[%swap3A_144, %swap3A_145, %swap3A_146], %swap3A_149 {strides = array<i32>} : memref<1x64x2048xf32, #tpu.memory_space<vmem>>, vector<1x64x128xf32>,
    %get3A_150 = arith.constant 448 : index
    %get3A_151 = arith.constant 0 : index
    %get3A_152 = vector.load %arg3[%get3A_150, %get3A_151] : memref<1024x128xf32, #tpu.memory_space<vmem>>, vector<64x128xf32>
    %slice3A_153 = vector.extract_strided_slice %get3A_152 {offsets = [0, 0], sizes = [64, 64], strides = [1, 1]} : vector<64x128xf32> to vector<64x64xf32>
    %convert_element_type3A_154 = arith.truncf %slice3A_153 : vector<64x64xf32> to vector<64x64xbf16>
    %convert_element_type3A_155 = arith.extf %convert_element_type3A_154 : vector<64x64xbf16> to vector<64x64xf32>
    %sub3A_156 = arith.subf %slice3A_153, %convert_element_type3A_155 : vector<64x64xf32>
    %convert_element_type3A_157 = arith.truncf %sub3A_156 : vector<64x64xf32> to vector<64x64xbf16>
    %slice3A_158 = vector.extract_strided_slice %get3A_152 {offsets = [0, 64], sizes = [64, 64], strides = [1, 1]} : vector<64x128xf32> to vector<64x64xf32>
    %convert_element_type3A_159 = arith.truncf %slice3A_158 : vector<64x64xf32> to vector<64x64xbf16>
    %convert_element_type3A_160 = arith.extf %convert_element_type3A_159 : vector<64x64xbf16> to vector<64x64xf32>
    %sub3A_161 = arith.subf %slice3A_158, %convert_element_type3A_160 : vector<64x64xf32>
    %convert_element_type3A_162 = arith.truncf %sub3A_161 : vector<64x64xf32> to vector<64x64xbf16>
    %concatenate3A_163 = tpu.concatenate %convert_element_type3A_154, %convert_element_type3A_157, %convert_element_type3A_159, %convert_element_type3A_162 in 0 : vector<64x64xbf16>, vector<64x64xbf16>, vector<64x64xbf16>, vector<64x64xbf16> -> vector<256x64xbf16>
    %dot_general3A_164 = arith.constant dense<0.000000e+00> : vector<64x128xf32>
    %dot_general3A_165 = tpu.matmul %concatenate3A_163, %get3A_1, %dot_general3A_164 {dimension_numbers = #tpu.dot_dimension_numbers<[0], [0], [1], [1], [0, 1, 1, 1], [], []>, transpose_lhs_hint = true} : vector<256x64xbf16>, vector<256x128xbf16>, vector<64x128xf32> -> vector<64x128xf32>
    %swap3A_166 = arith.constant 0 : index
    %swap3A_167 = arith.constant 0 : index
    %swap3A_168 = arith.constant 896 : index
    %swap3A_169 = vector.load %arg4[%swap3A_166, %swap3A_167, %swap3A_168] : memref<1x64x2048xf32, #tpu.memory_space<vmem>>, vector<1x64x128xf32>
    %swap3A_170 = vector.shape_cast %swap3A_169 : vector<1x64x128xf32> to vector<64x128xf32>
    %swap3A_171 = vector.shape_cast %dot_general3A_165 : vector<64x128xf32> to vector<1x64x128xf32>
    tpu.vector_store %arg4[%swap3A_166, %swap3A_167, %swap3A_168], %swap3A_171 {strides = array<i32>} : memref<1x64x2048xf32, #tpu.memory_space<vmem>>, vector<1x64x128xf32>,
    %get3A_172 = arith.constant 512 : index
    %get3A_173 = arith.constant 0 : index
    %get3A_174 = vector.load %arg3[%get3A_172, %get3A_173] : memref<1024x128xf32, #tpu.memory_space<vmem>>, vector<64x128xf32>
    %slice3A_175 = vector.extract_strided_slice %get3A_174 {offsets = [0, 0], sizes = [64, 64], strides = [1, 1]} : vector<64x128xf32> to vector<64x64xf32>
    %convert_element_type3A_176 = arith.truncf %slice3A_175 : vector<64x64xf32> to vector<64x64xbf16>
    %convert_element_type3A_177 = arith.extf %convert_element_type3A_176 : vector<64x64xbf16> to vector<64x64xf32>
    %sub3A_178 = arith.subf %slice3A_175, %convert_element_type3A_177 : vector<64x64xf32>
    %convert_element_type3A_179 = arith.truncf %sub3A_178 : vector<64x64xf32> to vector<64x64xbf16>
    %slice3A_180 = vector.extract_strided_slice %get3A_174 {offsets = [0, 64], sizes = [64, 64], strides = [1, 1]} : vector<64x128xf32> to vector<64x64xf32>
    %convert_element_type3A_181 = arith.truncf %slice3A_180 : vector<64x64xf32> to vector<64x64xbf16>
    %convert_element_type3A_182 = arith.extf %convert_element_type3A_181 : vector<64x64xbf16> to vector<64x64xf32>
    %sub3A_183 = arith.subf %slice3A_180, %convert_element_type3A_182 : vector<64x64xf32>
    %convert_element_type3A_184 = arith.truncf %sub3A_183 : vector<64x64xf32> to vector<64x64xbf16>
    %concatenate3A_185 = tpu.concatenate %convert_element_type3A_176, %convert_element_type3A_179, %convert_element_type3A_181, %convert_element_type3A_184 in 0 : vector<64x64xbf16>, vector<64x64xbf16>, vector<64x64xbf16>, vector<64x64xbf16> -> vector<256x64xbf16>
    %dot_general3A_186 = arith.constant dense<0.000000e+00> : vector<64x128xf32>
    %dot_general3A_187 = tpu.matmul %concatenate3A_185, %get3A_1, %dot_general3A_186 {dimension_numbers = #tpu.dot_dimension_numbers<[0], [0], [1], [1], [0, 1, 1, 1], [], []>, transpose_lhs_hint = true} : vector<256x64xbf16>, vector<256x128xbf16>, vector<64x128xf32> -> vector<64x128xf32>
    %swap3A_188 = arith.constant 0 : index
    %swap3A_189 = arith.constant 0 : index
    %swap3A_190 = arith.constant 1024 : index
    %swap3A_191 = vector.load %arg4[%swap3A_188, %swap3A_189, %swap3A_190] : memref<1x64x2048xf32, #tpu.memory_space<vmem>>, vector<1x64x128xf32>
    %swap3A_192 = vector.shape_cast %swap3A_191 : vector<1x64x128xf32> to vector<64x128xf32>
    %swap3A_193 = vector.shape_cast %dot_general3A_187 : vector<64x128xf32> to vector<1x64x128xf32>
    tpu.vector_store %arg4[%swap3A_188, %swap3A_189, %swap3A_190], %swap3A_193 {strides = array<i32>} : memref<1x64x2048xf32, #tpu.memory_space<vmem>>, vector<1x64x128xf32>,
    %get3A_194 = arith.constant 576 : index
    %get3A_195 = arith.constant 0 : index
    %get3A_196 = vector.load %arg3[%get3A_194, %get3A_195] : memref<1024x128xf32, #tpu.memory_space<vmem>>, vector<64x128xf32>
    %slice3A_197 = vector.extract_strided_slice %get3A_196 {offsets = [0, 0], sizes = [64, 64], strides = [1, 1]} : vector<64x128xf32> to vector<64x64xf32>
    %convert_element_type3A_198 = arith.truncf %slice3A_197 : vector<64x64xf32> to vector<64x64xbf16>
    %convert_element_type3A_199 = arith.extf %convert_element_type3A_198 : vector<64x64xbf16> to vector<64x64xf32>
    %sub3A_200 = arith.subf %slice3A_197, %convert_element_type3A_199 : vector<64x64xf32>
    %convert_element_type3A_201 = arith.truncf %sub3A_200 : vector<64x64xf32> to vector<64x64xbf16>
    %slice3A_202 = vector.extract_strided_slice %get3A_196 {offsets = [0, 64], sizes = [64, 64], strides = [1, 1]} : vector<64x128xf32> to vector<64x64xf32>
    %convert_element_type3A_203 = arith.truncf %slice3A_202 : vector<64x64xf32> to vector<64x64xbf16>
    %convert_element_type3A_204 = arith.extf %convert_element_type3A_203 : vector<64x64xbf16> to vector<64x64xf32>
    %sub3A_205 = arith.subf %slice3A_202, %convert_element_type3A_204 : vector<64x64xf32>
    %convert_element_type3A_206 = arith.truncf %sub3A_205 : vector<64x64xf32> to vector<64x64xbf16>
    %concatenate3A_207 = tpu.concatenate %convert_element_type3A_198, %convert_element_type3A_201, %convert_element_type3A_203, %convert_element_type3A_206 in 0 : vector<64x64xbf16>, vector<64x64xbf16>, vector<64x64xbf16>, vector<64x64xbf16> -> vector<256x64xbf16>
    %dot_general3A_208 = arith.constant dense<0.000000e+00> : vector<64x128xf32>
    %dot_general3A_209 = tpu.matmul %concatenate3A_207, %get3A_1, %dot_general3A_208 {dimension_numbers = #tpu.dot_dimension_numbers<[0], [0], [1], [1], [0, 1, 1, 1], [], []>, transpose_lhs_hint = true} : vector<256x64xbf16>, vector<256x128xbf16>, vector<64x128xf32> -> vector<64x128xf32>
    %swap3A_210 = arith.constant 0 : index
    %swap3A_211 = arith.constant 0 : index
    %swap3A_212 = arith.constant 1152 : index
    %swap3A_213 = vector.load %arg4[%swap3A_210, %swap3A_211, %swap3A_212] : memref<1x64x2048xf32, #tpu.memory_space<vmem>>, vector<1x64x128xf32>
    %swap3A_214 = vector.shape_cast %swap3A_213 : vector<1x64x128xf32> to vector<64x128xf32>
    %swap3A_215 = vector.shape_cast %dot_general3A_209 : vector<64x128xf32> to vector<1x64x128xf32>
    tpu.vector_store %arg4[%swap3A_210, %swap3A_211, %swap3A_212], %swap3A_215 {strides = array<i32>} : memref<1x64x2048xf32, #tpu.memory_space<vmem>>, vector<1x64x128xf32>,
    %get3A_216 = arith.constant 640 : index
    %get3A_217 = arith.constant 0 : index
    %get3A_218 = vector.load %arg3[%get3A_216, %get3A_217] : memref<1024x128xf32, #tpu.memory_space<vmem>>, vector<64x128xf32>
    %slice3A_219 = vector.extract_strided_slice %get3A_218 {offsets = [0, 0], sizes = [64, 64], strides = [1, 1]} : vector<64x128xf32> to vector<64x64xf32>
    %convert_element_type3A_220 = arith.truncf %slice3A_219 : vector<64x64xf32> to vector<64x64xbf16>
    %convert_element_type3A_221 = arith.extf %convert_element_type3A_220 : vector<64x64xbf16> to vector<64x64xf32>
    %sub3A_222 = arith.subf %slice3A_219, %convert_element_type3A_221 : vector<64x64xf32>
    %convert_element_type3A_223 = arith.truncf %sub3A_222 : vector<64x64xf32> to vector<64x64xbf16>
    %slice3A_224 = vector.extract_strided_slice %get3A_218 {offsets = [0, 64], sizes = [64, 64], strides = [1, 1]} : vector<64x128xf32> to vector<64x64xf32>
    %convert_element_type3A_225 = arith.truncf %slice3A_224 : vector<64x64xf32> to vector<64x64xbf16>
    %convert_element_type3A_226 = arith.extf %convert_element_type3A_225 : vector<64x64xbf16> to vector<64x64xf32>
    %sub3A_227 = arith.subf %slice3A_224, %convert_element_type3A_226 : vector<64x64xf32>
    %convert_element_type3A_228 = arith.truncf %sub3A_227 : vector<64x64xf32> to vector<64x64xbf16>
    %concatenate3A_229 = tpu.concatenate %convert_element_type3A_220, %convert_element_type3A_223, %convert_element_type3A_225, %convert_element_type3A_228 in 0 : vector<64x64xbf16>, vector<64x64xbf16>, vector<64x64xbf16>, vector<64x64xbf16> -> vector<256x64xbf16>
    %dot_general3A_230 = arith.constant dense<0.000000e+00> : vector<64x128xf32>
    %dot_general3A_231 = tpu.matmul %concatenate3A_229, %get3A_1, %dot_general3A_230 {dimension_numbers = #tpu.dot_dimension_numbers<[0], [0], [1], [1], [0, 1, 1, 1], [], []>, transpose_lhs_hint = true} : vector<256x64xbf16>, vector<256x128xbf16>, vector<64x128xf32> -> vector<64x128xf32>
    %swap3A_232 = arith.constant 0 : index
    %swap3A_233 = arith.constant 0 : index
    %swap3A_234 = arith.constant 1280 : index
    %swap3A_235 = vector.load %arg4[%swap3A_232, %swap3A_233, %swap3A_234] : memref<1x64x2048xf32, #tpu.memory_space<vmem>>, vector<1x64x128xf32>
    %swap3A_236 = vector.shape_cast %swap3A_235 : vector<1x64x128xf32> to vector<64x128xf32>
    %swap3A_237 = vector.shape_cast %dot_general3A_231 : vector<64x128xf32> to vector<1x64x128xf32>
    tpu.vector_store %arg4[%swap3A_232, %swap3A_233, %swap3A_234], %swap3A_237 {strides = array<i32>} : memref<1x64x2048xf32, #tpu.memory_space<vmem>>, vector<1x64x128xf32>,
    %get3A_238 = arith.constant 704 : index
    %get3A_239 = arith.constant 0 : index
    %get3A_240 = vector.load %arg3[%get3A_238, %get3A_239] : memref<1024x128xf32, #tpu.memory_space<vmem>>, vector<64x128xf32>
    %slice3A_241 = vector.extract_strided_slice %get3A_240 {offsets = [0, 0], sizes = [64, 64], strides = [1, 1]} : vector<64x128xf32> to vector<64x64xf32>
    %convert_element_type3A_242 = arith.truncf %slice3A_241 : vector<64x64xf32> to vector<64x64xbf16>
    %convert_element_type3A_243 = arith.extf %convert_element_type3A_242 : vector<64x64xbf16> to vector<64x64xf32>
    %sub3A_244 = arith.subf %slice3A_241, %convert_element_type3A_243 : vector<64x64xf32>
    %convert_element_type3A_245 = arith.truncf %sub3A_244 : vector<64x64xf32> to vector<64x64xbf16>
    %slice3A_246 = vector.extract_strided_slice %get3A_240 {offsets = [0, 64], sizes = [64, 64], strides = [1, 1]} : vector<64x128xf32> to vector<64x64xf32>
    %convert_element_type3A_247 = arith.truncf %slice3A_246 : vector<64x64xf32> to vector<64x64xbf16>
    %convert_element_type3A_248 = arith.extf %convert_element_type3A_247 : vector<64x64xbf16> to vector<64x64xf32>
    %sub3A_249 = arith.subf %slice3A_246, %convert_element_type3A_248 : vector<64x64xf32>
    %convert_element_type3A_250 = arith.truncf %sub3A_249 : vector<64x64xf32> to vector<64x64xbf16>
    %concatenate3A_251 = tpu.concatenate %convert_element_type3A_242, %convert_element_type3A_245, %convert_element_type3A_247, %convert_element_type3A_250 in 0 : vector<64x64xbf16>, vector<64x64xbf16>, vector<64x64xbf16>, vector<64x64xbf16> -> vector<256x64xbf16>
    %dot_general3A_252 = arith.constant dense<0.000000e+00> : vector<64x128xf32>
    %dot_general3A_253 = tpu.matmul %concatenate3A_251, %get3A_1, %dot_general3A_252 {dimension_numbers = #tpu.dot_dimension_numbers<[0], [0], [1], [1], [0, 1, 1, 1], [], []>, transpose_lhs_hint = true} : vector<256x64xbf16>, vector<256x128xbf16>, vector<64x128xf32> -> vector<64x128xf32>
    %swap3A_254 = arith.constant 0 : index
    %swap3A_255 = arith.constant 0 : index
    %swap3A_256 = arith.constant 1408 : index
    %swap3A_257 = vector.load %arg4[%swap3A_254, %swap3A_255, %swap3A_256] : memref<1x64x2048xf32, #tpu.memory_space<vmem>>, vector<1x64x128xf32>
    %swap3A_258 = vector.shape_cast %swap3A_257 : vector<1x64x128xf32> to vector<64x128xf32>
    %swap3A_259 = vector.shape_cast %dot_general3A_253 : vector<64x128xf32> to vector<1x64x128xf32>
    tpu.vector_store %arg4[%swap3A_254, %swap3A_255, %swap3A_256], %swap3A_259 {strides = array<i32>} : memref<1x64x2048xf32, #tpu.memory_space<vmem>>, vector<1x64x128xf32>,
    %get3A_260 = arith.constant 768 : index
    %get3A_261 = arith.constant 0 : index
    %get3A_262 = vector.load %arg3[%get3A_260, %get3A_261] : memref<1024x128xf32, #tpu.memory_space<vmem>>, vector<64x128xf32>
    %slice3A_263 = vector.extract_strided_slice %get3A_262 {offsets = [0, 0], sizes = [64, 64], strides = [1, 1]} : vector<64x128xf32> to vector<64x64xf32>
    %convert_element_type3A_264 = arith.truncf %slice3A_263 : vector<64x64xf32> to vector<64x64xbf16>
    %convert_element_type3A_265 = arith.extf %convert_element_type3A_264 : vector<64x64xbf16> to vector<64x64xf32>
    %sub3A_266 = arith.subf %slice3A_263, %convert_element_type3A_265 : vector<64x64xf32>
    %convert_element_type3A_267 = arith.truncf %sub3A_266 : vector<64x64xf32> to vector<64x64xbf16>
    %slice3A_268 = vector.extract_strided_slice %get3A_262 {offsets = [0, 64], sizes = [64, 64], strides = [1, 1]} : vector<64x128xf32> to vector<64x64xf32>
    %convert_element_type3A_269 = arith.truncf %slice3A_268 : vector<64x64xf32> to vector<64x64xbf16>
    %convert_element_type3A_270 = arith.extf %convert_element_type3A_269 : vector<64x64xbf16> to vector<64x64xf32>
    %sub3A_271 = arith.subf %slice3A_268, %convert_element_type3A_270 : vector<64x64xf32>
    %convert_element_type3A_272 = arith.truncf %sub3A_271 : vector<64x64xf32> to vector<64x64xbf16>
    %concatenate3A_273 = tpu.concatenate %convert_element_type3A_264, %convert_element_type3A_267, %convert_element_type3A_269, %convert_element_type3A_272 in 0 : vector<64x64xbf16>, vector<64x64xbf16>, vector<64x64xbf16>, vector<64x64xbf16> -> vector<256x64xbf16>
    %dot_general3A_274 = arith.constant dense<0.000000e+00> : vector<64x128xf32>
    %dot_general3A_275 = tpu.matmul %concatenate3A_273, %get3A_1, %dot_general3A_274 {dimension_numbers = #tpu.dot_dimension_numbers<[0], [0], [1], [1], [0, 1, 1, 1], [], []>, transpose_lhs_hint = true} : vector<256x64xbf16>, vector<256x128xbf16>, vector<64x128xf32> -> vector<64x128xf32>
    %swap3A_276 = arith.constant 0 : index
    %swap3A_277 = arith.constant 0 : index
    %swap3A_278 = arith.constant 1536 : index
    %swap3A_279 = vector.load %arg4[%swap3A_276, %swap3A_277, %swap3A_278] : memref<1x64x2048xf32, #tpu.memory_space<vmem>>, vector<1x64x128xf32>
    %swap3A_280 = vector.shape_cast %swap3A_279 : vector<1x64x128xf32> to vector<64x128xf32>
    %swap3A_281 = vector.shape_cast %dot_general3A_275 : vector<64x128xf32> to vector<1x64x128xf32>
    tpu.vector_store %arg4[%swap3A_276, %swap3A_277, %swap3A_278], %swap3A_281 {strides = array<i32>} : memref<1x64x2048xf32, #tpu.memory_space<vmem>>, vector<1x64x128xf32>,
    %get3A_282 = arith.constant 832 : index
    %get3A_283 = arith.constant 0 : index
    %get3A_284 = vector.load %arg3[%get3A_282, %get3A_283] : memref<1024x128xf32, #tpu.memory_space<vmem>>, vector<64x128xf32>
    %slice3A_285 = vector.extract_strided_slice %get3A_284 {offsets = [0, 0], sizes = [64, 64], strides = [1, 1]} : vector<64x128xf32> to vector<64x64xf32>
    %convert_element_type3A_286 = arith.truncf %slice3A_285 : vector<64x64xf32> to vector<64x64xbf16>
    %convert_element_type3A_287 = arith.extf %convert_element_type3A_286 : vector<64x64xbf16> to vector<64x64xf32>
    %sub3A_288 = arith.subf %slice3A_285, %convert_element_type3A_287 : vector<64x64xf32>
    %convert_element_type3A_289 = arith.truncf %sub3A_288 : vector<64x64xf32> to vector<64x64xbf16>
    %slice3A_290 = vector.extract_strided_slice %get3A_284 {offsets = [0, 64], sizes = [64, 64], strides = [1, 1]} : vector<64x128xf32> to vector<64x64xf32>
    %convert_element_type3A_291 = arith.truncf %slice3A_290 : vector<64x64xf32> to vector<64x64xbf16>
    %convert_element_type3A_292 = arith.extf %convert_element_type3A_291 : vector<64x64xbf16> to vector<64x64xf32>
    %sub3A_293 = arith.subf %slice3A_290, %convert_element_type3A_292 : vector<64x64xf32>
    %convert_element_type3A_294 = arith.truncf %sub3A_293 : vector<64x64xf32> to vector<64x64xbf16>
    %concatenate3A_295 = tpu.concatenate %convert_element_type3A_286, %convert_element_type3A_289, %convert_element_type3A_291, %convert_element_type3A_294 in 0 : vector<64x64xbf16>, vector<64x64xbf16>, vector<64x64xbf16>, vector<64x64xbf16> -> vector<256x64xbf16>
    %dot_general3A_296 = arith.constant dense<0.000000e+00> : vector<64x128xf32>
    %dot_general3A_297 = tpu.matmul %concatenate3A_295, %get3A_1, %dot_general3A_296 {dimension_numbers = #tpu.dot_dimension_numbers<[0], [0], [1], [1], [0, 1, 1, 1], [], []>, transpose_lhs_hint = true} : vector<256x64xbf16>, vector<256x128xbf16>, vector<64x128xf32> -> vector<64x128xf32>
    %swap3A_298 = arith.constant 0 : index
    %swap3A_299 = arith.constant 0 : index
    %swap3A_300 = arith.constant 1664 : index
    %swap3A_301 = vector.load %arg4[%swap3A_298, %swap3A_299, %swap3A_300] : memref<1x64x2048xf32, #tpu.memory_space<vmem>>, vector<1x64x128xf32>
    %swap3A_302 = vector.shape_cast %swap3A_301 : vector<1x64x128xf32> to vector<64x128xf32>
    %swap3A_303 = vector.shape_cast %dot_general3A_297 : vector<64x128xf32> to vector<1x64x128xf32>
    tpu.vector_store %arg4[%swap3A_298, %swap3A_299, %swap3A_300], %swap3A_303 {strides = array<i32>} : memref<1x64x2048xf32, #tpu.memory_space<vmem>>, vector<1x64x128xf32>,
    %get3A_304 = arith.constant 896 : index
    %get3A_305 = arith.constant 0 : index
    %get3A_306 = vector.load %arg3[%get3A_304, %get3A_305] : memref<1024x128xf32, #tpu.memory_space<vmem>>, vector<64x128xf32>
    %slice3A_307 = vector.extract_strided_slice %get3A_306 {offsets = [0, 0], sizes = [64, 64], strides = [1, 1]} : vector<64x128xf32> to vector<64x64xf32>
    %convert_element_type3A_308 = arith.truncf %slice3A_307 : vector<64x64xf32> to vector<64x64xbf16>
    %convert_element_type3A_309 = arith.extf %convert_element_type3A_308 : vector<64x64xbf16> to vector<64x64xf32>
    %sub3A_310 = arith.subf %slice3A_307, %convert_element_type3A_309 : vector<64x64xf32>
    %convert_element_type3A_311 = arith.truncf %sub3A_310 : vector<64x64xf32> to vector<64x64xbf16>
    %slice3A_312 = vector.extract_strided_slice %get3A_306 {offsets = [0, 64], sizes = [64, 64], strides = [1, 1]} : vector<64x128xf32> to vector<64x64xf32>
    %convert_element_type3A_313 = arith.truncf %slice3A_312 : vector<64x64xf32> to vector<64x64xbf16>
    %convert_element_type3A_314 = arith.extf %convert_element_type3A_313 : vector<64x64xbf16> to vector<64x64xf32>
    %sub3A_315 = arith.subf %slice3A_312, %convert_element_type3A_314 : vector<64x64xf32>
    %convert_element_type3A_316 = arith.truncf %sub3A_315 : vector<64x64xf32> to vector<64x64xbf16>
    %concatenate3A_317 = tpu.concatenate %convert_element_type3A_308, %convert_element_type3A_311, %convert_element_type3A_313, %convert_element_type3A_316 in 0 : vector<64x64xbf16>, vector<64x64xbf16>, vector<64x64xbf16>, vector<64x64xbf16> -> vector<256x64xbf16>
    %dot_general3A_318 = arith.constant dense<0.000000e+00> : vector<64x128xf32>
    %dot_general3A_319 = tpu.matmul %concatenate3A_317, %get3A_1, %dot_general3A_318 {dimension_numbers = #tpu.dot_dimension_numbers<[0], [0], [1], [1], [0, 1, 1, 1], [], []>, transpose_lhs_hint = true} : vector<256x64xbf16>, vector<256x128xbf16>, vector<64x128xf32> -> vector<64x128xf32>
    %swap3A_320 = arith.constant 0 : index
    %swap3A_321 = arith.constant 0 : index
    %swap3A_322 = arith.constant 1792 : index
    %swap3A_323 = vector.load %arg4[%swap3A_320, %swap3A_321, %swap3A_322] : memref<1x64x2048xf32, #tpu.memory_space<vmem>>, vector<1x64x128xf32>
    %swap3A_324 = vector.shape_cast %swap3A_323 : vector<1x64x128xf32> to vector<64x128xf32>
    %swap3A_325 = vector.shape_cast %dot_general3A_319 : vector<64x128xf32> to vector<1x64x128xf32>
    tpu.vector_store %arg4[%swap3A_320, %swap3A_321, %swap3A_322], %swap3A_325 {strides = array<i32>} : memref<1x64x2048xf32, #tpu.memory_space<vmem>>, vector<1x64x128xf32>,
    %get3A_326 = arith.constant 960 : index
    %get3A_327 = arith.constant 0 : index
    %get3A_328 = vector.load %arg3[%get3A_326, %get3A_327] : memref<1024x128xf32, #tpu.memory_space<vmem>>, vector<64x128xf32>
    %slice3A_329 = vector.extract_strided_slice %get3A_328 {offsets = [0, 0], sizes = [64, 64], strides = [1, 1]} : vector<64x128xf32> to vector<64x64xf32>
    %convert_element_type3A_330 = arith.truncf %slice3A_329 : vector<64x64xf32> to vector<64x64xbf16>
    %convert_element_type3A_331 = arith.extf %convert_element_type3A_330 : vector<64x64xbf16> to vector<64x64xf32>
    %sub3A_332 = arith.subf %slice3A_329, %convert_element_type3A_331 : vector<64x64xf32>
    %convert_element_type3A_333 = arith.truncf %sub3A_332 : vector<64x64xf32> to vector<64x64xbf16>
    %slice3A_334 = vector.extract_strided_slice %get3A_328 {offsets = [0, 64], sizes = [64, 64], strides = [1, 1]} : vector<64x128xf32> to vector<64x64xf32>
    %convert_element_type3A_335 = arith.truncf %slice3A_334 : vector<64x64xf32> to vector<64x64xbf16>
    %convert_element_type3A_336 = arith.extf %convert_element_type3A_335 : vector<64x64xbf16> to vector<64x64xf32>
    %sub3A_337 = arith.subf %slice3A_334, %convert_element_type3A_336 : vector<64x64xf32>
    %convert_element_type3A_338 = arith.truncf %sub3A_337 : vector<64x64xf32> to vector<64x64xbf16>
    %concatenate3A_339 = tpu.concatenate %convert_element_type3A_330, %convert_element_type3A_333, %convert_element_type3A_335, %convert_element_type3A_338 in 0 : vector<64x64xbf16>, vector<64x64xbf16>, vector<64x64xbf16>, vector<64x64xbf16> -> vector<256x64xbf16>
    %dot_general3A_340 = arith.constant dense<0.000000e+00> : vector<64x128xf32>
    %dot_general3A_341 = tpu.matmul %concatenate3A_339, %get3A_1, %dot_general3A_340 {dimension_numbers = #tpu.dot_dimension_numbers<[0], [0], [1], [1], [0, 1, 1, 1], [], []>, transpose_lhs_hint = true} : vector<256x64xbf16>, vector<256x128xbf16>, vector<64x128xf32> -> vector<64x128xf32>
    %swap3A_342 = arith.constant 0 : index
    %swap3A_343 = arith.constant 0 : index
    %swap3A_344 = arith.constant 1920 : index
    %swap3A_345 = vector.load %arg4[%swap3A_342, %swap3A_343, %swap3A_344] : memref<1x64x2048xf32, #tpu.memory_space<vmem>>, vector<1x64x128xf32>
    %swap3A_346 = vector.shape_cast %swap3A_345 : vector<1x64x128xf32> to vector<64x128xf32>
    %swap3A_347 = vector.shape_cast %dot_general3A_341 : vector<64x128xf32> to vector<1x64x128xf32>
    tpu.vector_store %arg4[%swap3A_342, %swap3A_343, %swap3A_344], %swap3A_347 {strides = array<i32>} : memref<1x64x2048xf32, #tpu.memory_space<vmem>>, vector<1x64x128xf32>,
    return
  }
  func.func @transform_0(%arg0: i32, %arg1: i32) -> (i32, i32) {
    %c0_i32 = arith.constant 0 : i32
    %c0_i32_0 = arith.constant 0 : i32
    %c0_i32_1 = arith.constant 0 : i32
    return %c0_i32, %c0_i32_0 : i32, i32
  }
  func.func @transform_1(%arg0: i32, %arg1: i32) -> (i32, i32) {
    %mul3A = arith.constant 1 : i32
    %mul3A_0 = arith.muli %arg0, %mul3A : i32
    %add3A = arith.addi %mul3A_0, %arg1 : i32
    %c0_i32 = arith.constant 0 : i32
    %c0_i32_1 = arith.constant 0 : i32
    return %add3A, %c0_i32 : i32, i32
  }
  func.func @transform_2(%arg0: i32, %arg1: i32) -> (i32, i32, i32) {
    %c0_i32 = arith.constant 0 : i32
    %c0_i32_0 = arith.constant 0 : i32
    return %arg0, %c0_i32, %arg1 : i32, i32, i32
  }
}

</mosaic_0001>

<sc_bundles>
// kernel: kernel.5.cloned.1.call-start
scs
__scs_entry_jumppad:
0x0: {  	(pc) =	sbr.rel $0x88, $3  }
0x1: {  	(tag) =	ssettag $0x0;
	lr =	simm.s32 $0x1  }
0x2: {  	[smem:$0x3F9A] =	sst lr;
	_ =	strace $0xD0000000  }
0x3: {  	_ = 	snop  }
0x4: {  	_ = 	snop  }
0x5: {  	_ = 	snop  }
0x6: {  	_ = 	snop  }
0x7: {  	_ = 	snop  }
__scs_overlays_trampoline_lowered:
0x8: {  	[smem:$0x3FA9] =	sst s0  }
0x9: {  	[smem:$0x3FAA] =	sst s1  }
0xa: {  	[smem:$0x3FAB] =	sst s2  }
0xb: {  	[smem:$0x3FAC] =	sst s3  }
0xc: {  	[smem:$0x3FAD] =	sst s4  }
0xd: {  	[smem:$0x3FAE] =	sst s5  }
0xe: {  	[smem:$0x3FAF] =	sst s6  }
0xf: {  	[smem:$0x3FB0] =	sst s7  }
0x10: {  	[smem:$0x3FB1] =	sst s8  }
0x11: {  	[smem:$0x3FB2] =	sst s9;
	s0 =	simm.s32 @!p0 $0x0  }
0x12: {  	s1 =	sld [smem:$0x3F98];
	s0 =	simm.s32 @p0 $0x1  }
0x13: {  	[smem:$0x3FB3] =	sst s0;
	s0 =	simm.s32 @!p1 $0x0  }
0x14: {  	s2 =	sld [smem:$0x3F97];
	s0 =	simm.s32 @p1 $0x1  }
0x15: {  	[smem:$0x3FB4] =	sst s0;
	s0 =	simm.s32 @!p2 $0x0  }
0x16: {  	s3 =	sld [smem:$0x3FDB];
	s0 =	simm.s32 @p2 $0x1  }
0x17: {  	s4 =	simm.s32 $0x1BF5;
	[smem:$0x3FB6] =	sst s0  }
0x18: {  	s0 =	sld [smem:$0x3F99];
	_ =	swait.ge [sflag:s4], $0x0  }
0x19: {  	s7 =	sld [smem:$0x3F9A]  }
0x1a: {  	s8 =	sadd.s32 $0xFFFFE003, lr  }
0x1b: {  	s9 =	sadd.s32 $0xFFFFFEF7, lr;
	s5 =	simm.s32 $0xFFFFFFFF;
	p2 =	slt.u32 s8, $0xFFFFF086  }
0x1c: {  	p1 =	slt.u32 s9, $0xF7A;
	s5 =	simm.s32 @!p2 $0x0  }
0x1d: {  	s5 =	simm.s32 @p1 $0x1;
	p0 =	seq.s32 s7, s2  }
0x1e: {  	s7 =	smul.u32 @!p0 $0xF7A, s2;
	p2 =	seq.s32 @!p0 s5, $0x0  }
0x1f: {  	s9 =	smul.u32 $0xF7A, s1;
	s8 =	simm.s32 @!p0 $0x1BF5;
	p2 =	por !p2, p0  }
0x20: {  	[sflag:s8] =	ssyncset.s32 @!p0 $0xFFFFF086;
	s6 =	sadd.s32 @!p0 s3, s7;
	s7 =	simm.s32 @!p0 $0x108  }
0x21: {  	s3 =	sadd.s32 s3, s9;
	s6 =	sadd.s32 @!p0 $0x88, s6;
	s7 =	simm.s32 @p2 $0x1082  }
0x22: {  	[simem:s7], [sflag:s8] =	dma.local @!p0 [hbm:s6], $0xF7A  }
0x23: {  	s9 =	sor.u32 $0xD0000000, s2;
	s6 =	simm.s32 $0x108;
	_ =	swait.ge @!p0 [sflag:s8], $0x0  }
0x24: {  	s3 =	sadd.s32 $0x88, s3;
	s6 =	simm.s32 @!p1 $0x1082;
	[sflag:s4] =	ssyncset.s32 $0xFFFFF086  }
0x25: {  	[simem:s6], [sflag:s4] =	dma.local [hbm:s3], $0xF7A  }
0x26: {  	[smem:$0x3F9A] =	sst s1;
	(tag) =	ssettag s2;
	_ =	strace s9  }
0x27: {  	s1 =	sld [smem:$0x3FAA]  }
0x28: {  	s2 =	sld [smem:$0x3FAB]  }
0x29: {  	s4 =	sld [smem:$0x3FAD]  }
0x2a: {  	p0 =	seq.s32 s5, $0x0;
	s5 =	sld [smem:$0x3FAE]  }
0x2b: {  	s6 =	sld [smem:$0x3FAF]  }
0x2c: {  	s7 =	sld [smem:$0x3FB0]  }
0x2d: {  	s3 =	simm.s32 $0x108;
	s8 =	sld [smem:$0x3FB1]  }
0x2e: {  	s3 =	simm.s32 @!p0 $0x1082;
	s9 =	sld [smem:$0x3FB2]  }
0x2f: {  	lr =	sadd.s32 s0, s3;
	s0 =	sld [smem:$0x3FA9]  }
0x30: {  	s3 =	sld [smem:$0x3FAC]  }
0x31: {  	[smem:$0x3FB5] =	sst s10  }
0x32: {  	s10 =	sld [smem:$0x3FB3];
	_ =	sdelay $0x3  }
0x33: {  	p0 =	seq.s32 s10, $0x1;
	s10 =	sld [smem:$0x3FB5];
	_ =	sdelay $0x3  }
0x34: {  	[smem:$0x3FB5] =	sst s10  }
0x35: {  	s10 =	sld [smem:$0x3FB4];
	_ =	sdelay $0x3  }
0x36: {  	p1 =	seq.s32 s10, $0x1;
	s10 =	sld [smem:$0x3FB5];
	_ =	sdelay $0x3  }
0x37: {  	[smem:$0x3FB5] =	sst s10  }
0x38: {  	s10 =	sld [smem:$0x3FB6]  }
0x39: {  	_ = 	snop;
	(pc) =	sbr.ind lr, $3  }
0x3a: {  	_ = 	snop  }
0x3b: {  	_ = 	snop  }
0x3c: {  	p2 =	seq.s32 s10, $0x1;
	s10 =	sld [smem:$0x3FB5]  }
0x3d: {  	_ =	shalt  }
0x3e: {  	_ =	shalt  }
0x3f: {  	_ =	shalt  }
0x40: {  	_ =	shalt  }
0x41: {  	_ =	shalt  }
0x42: {  	_ =	shalt  }
0x43: {  	_ =	shalt  }
0x44: {  	_ =	shalt  }
0x45: {  	_ =	shalt  }
0x46: {  	_ =	shalt  }
0x47: {  	_ =	shalt  }
0x48: {  	_ =	shalt  }
0x49: {  	_ =	shalt  }
0x4a: {  	_ =	shalt  }
0x4b: {  	_ =	shalt  }
0x4c: {  	_ =	shalt  }
0x4d: {  	_ =	shalt  }
0x4e: {  	_ =	shalt  }
0x4f: {  	_ =	shalt  }
0x50: {  	_ =	shalt  }
0x51: {  	_ =	shalt  }
0x52: {  	_ =	shalt  }
0x53: {  	_ =	shalt  }
0x54: {  	_ =	shalt  }
0x55: {  	_ =	shalt  }
0x56: {  	_ =	shalt  }
0x57: {  	_ =	shalt  }
0x58: {  	_ =	shalt  }
0x59: {  	_ =	shalt  }
0x5a: {  	_ =	shalt  }
0x5b: {  	_ =	shalt  }
0x5c: {  	_ =	shalt  }
0x5d: {  	_ =	shalt  }
0x5e: {  	_ =	shalt  }
0x5f: {  	_ =	shalt  }
0x60: {  	_ =	shalt  }
0x61: {  	_ =	shalt  }
0x62: {  	_ =	shalt  }
0x63: {  	_ =	shalt  }
0x64: {  	_ =	shalt  }
0x65: {  	_ =	shalt  }
0x66: {  	_ =	shalt  }
0x67: {  	_ =	shalt  }
0x68: {  	_ =	shalt  }
0x69: {  	_ =	shalt  }
0x6a: {  	_ =	shalt  }
0x6b: {  	_ =	shalt  }
0x6c: {  	_ =	shalt  }
0x6d: {  	_ =	shalt  }
0x6e: {  	_ =	shalt  }
0x6f: {  	_ =	shalt  }
0x70: {  	_ =	shalt  }
0x71: {  	_ =	shalt  }
0x72: {  	_ =	shalt  }
0x73: {  	_ =	shalt  }
0x74: {  	_ =	shalt  }
0x75: {  	_ =	shalt  }
0x76: {  	_ =	shalt  }
0x77: {  	_ =	shalt  }
0x78: {  	_ =	shalt  }
0x79: {  	_ =	shalt  }
0x7a: {  	_ =	shalt  }
0x7b: {  	_ =	shalt  }
0x7c: {  	_ =	shalt  }
0x7d: {  	_ =	shalt  }
0x7e: {  	_ =	shalt  }
0x7f: {  	_ =	shalt  }
0x80: {  	_ =	shalt  }
0x81: {  	_ =	shalt  }
0x82: {  	_ =	shalt  }
0x83: {  	_ =	shalt  }
0x84: {  	_ =	shalt  }
0x85: {  	_ =	shalt  }
0x86: {  	_ =	shalt  }
0x87: {  	_ =	shalt  }
.Lfunc_end0:
.L_simem_size_0:
called_computation_lowered:
.L_overlay_start_0:
0x88: {  	s2 =	sld [smem:$0x3FD9]  }
0x89: {  	s3 =	sld [smem:$0x3FFE];
	_ =	sdelay $0x1  }
0x8a: {  	s1 =	srdreg.scid  }
0x8b: {  	s0 =	sand.u32 $0x1, s1  }
0x8c: {  	s17 =	sshll.u32 s0, $0xA;
	s2 =	sadd.s32 s3, s2  }
0x8d: {  	s2 =	sadd.s32 s2, s17  }
0x8e: {  	[smem:$0x3FC1] =	sst s2  }
0x8f: {  	_ = 	snop  }
0x90: {  	s2 =	sld [smem:$0x3FD0];
	(tm) =	ssettm $0x1  }
0x91: {  	s18 =	sld [smem:$0x3FFB];
	_ =	sdelay $0x3  }
0x92: {  	_ =	strace s18  }
0x93: {  	s3 =	sld [smem:$0x3FFC];
	_ =	sdelay $0x3  }
0x94: {  	_ =	strace s3  }
0x95: {  	s3 =	sld [smem:$0x3FFD];
	_ =	sdelay $0x3  }
0x96: {  	_ =	strace s3  }
0x97: {  	_ =	strace $0x8FFFFFFF  }
0x98: {  	s19 =	sld [smem:$0x3FDB];
	_ =	sdelay $0x1  }
0x99: {  	s4 =	simm.s32 $_scs_section_size  }
0x9a: {  	s5 =	simm.s32 $_size__tile_overlayer_lowered;
	s6 =	simm.s32 $_tile_overlayer_lowered  }
0x9b: {  	s22 =	simm.s32 $0x1BFF;
	s21 =	sshll.u32 s6, $0x1;
	s3 =	sadd.s32 s4, s19  }
0x9c: {  	s7 =	simm.s32 $0x0;
	s20 =	sshll.u32 s5, $0x1;
	s5 =	sadd.s32 s21, s3  }
0x9d: {  	[timem:s7], [sflag:s22] =	dma.local [hbm:s5], s20  }
0x9e: {  	_ =	swait.ge [sflag:s22], s20  }
0x9f: {  	s4 =	ssub.s32 $0x0, s20;
	[sflag:s22] =	ssyncset.done $0x0  }
0xa0: {  	[sflag:s22] =	ssyncadd.s32 s4;
	_ =	sdelay $0x1  }
0xa1: {  	s23 =	simm.s32 $0x1B8B  }
0xa2: {  	_ =	swait.ge [sflag:s23], $0x1  }
0xa3: {  	[sflag:s23] =	ssyncset.done $0x0  }
0xa4: {  	s25 =	simm.s32 $0x1B8E;
	s24 =	sld [smem:$0x3FFE];
	[sflag:s23] =	ssyncadd.s32 $0xFFFFFFFF  }
0xa5: {  	s26 =	simm.s32 $execute0_lowered;
	[smem:$0x3FD2] =	sst s25  }
0xa6: {  	s5 =	sshll.u32 s26, $0x1;
	_ =	strace $0x80000046;
	[dreg:$0x1] =	wrdreg $0xFFFFFFFF  }
0xa7: {  	s28 =	simm.s32 $_size_execute0_lowered;
	s3 =	sadd.s32 s3, s5;
	[dreg:$0x0] =	wrdreg $0x0  }
0xa8: {  	s5 =	sshll.u32 s28, $0x1;
	[dreg:$0x2] =	wrdreg s3  }
0xa9: {  	[dreg:$0x3] =	wrdreg s5  }
0xaa: {  	[dreg:$0x4] =	wrdreg $0xC0  }
0xab: {  	_ =	task [dreg:s7], $0x5FFFF  }
0xac: {  	[dreg:$0x1] =	wrdreg $0xFFFFFFFF  }
0xad: {  	[dreg:$0x0] =	wrdreg $0x60  }
0xae: {  	[dreg:$0x2] =	wrdreg s2  }
0xaf: {  	[dreg:$0x3] =	wrdreg s24  }
0xb0: {  	[dreg:$0x4] =	wrdreg $0x108000  }
0xb1: {  	[dreg:$0x5] =	wrdreg $0x9  }
0xb2: {  	_ =	task.clear_ibuf [dreg:s7], $0x6FFFF;
	_ =	strace $0x90000046  }
0xb3: {  	s29 =	simm.s32 $0x9;
	_ =	strace $0x80000048  }
0xb4: {  	_ =	swait.ge [sflag:s29], $0x1  }
0xb5: {  	[sflag:s29] =	ssyncadd.s32 $0xFFFFFFFF  }
0xb6: {  	_ =	strace $0x90000048  }
0xb7: {  	_ =	sfence  }
0xb8: {  	s30 =	sld [smem:$0x0];
	_ =	sdelay $0x2  }
0xb9: {  	s31 =	sshll.u32 s1, $0xD;
	s1 =	sshrl.u32 s1, $0x2  }
0xba: {  	s3 =	sand.u32 $0x4000, s31;
	s1 =	sadd.s32 s1, s30  }
0xbb: {  	s0 =	sor.u32 s3, s0;
	s1 =	sshll.u32 s1, $0x11  }
0xbc: {  	s0 =	sor.u32 s1, s0  }
0xbd: {  	s0 =	sadd.s32 $0x8F2B, s0  }
0xbe: {  	[sflag:s0] =	ssyncadd.remote.s32 $0x1  }
0xbf: {  	_ =	sfence.sel $0xFFFF  }
0xc0: {  	[dreg:$0x0] =	wrdreg $0xFFFFFFFF;
	(pc) =	sbr.abs _section_cstart, $3  }
0xc1: {  	[dreg:$0x1] =	wrdreg $0xFFFFFFFF  }
0xc2: {  	_ =	task.clear_ibuf [dreg:s7], $0x2FFFF;
	_ =	strace $0x9FFFFFFF  }
0xc3: {  	(tm) =	ssettm $0x7FFFFFFF  }
tec
execute0_lowered:
.L_overlay_start_1:
0x0: {  	(tag) =	ssettag $0x1  }
0x1: {  	s0 =	rddreg [dreg:$0x0];
	s11 =	srdreg.scid  }
0x2: {  	s3 =	stileid.u32;
	s4 =	rddreg [dreg:$0x1]  }
0x3: {  	[dreg:$0x4] =	wrdreg s0;
	s0 =	sand.u32 $0x1, s11;
	s1 =	sshll.u32 s3, $0x1  }
0x4: {  	s2 =	rddreg [dreg:$0x2];
	s5 =	sor.u32 s0, s1  }
0x5: {  	s29 =	rddreg [dreg:$0x3];
	s7 =	simm.s32 $0x80;
	s6 =	sshll.u32 s5, $0x8  }
0x6: {  	s1 =	simm.s32 $0x0;
	s5 =	sshll.u32 s5, $0xF;
	s6 =	sadd.s32 s6, s4  }
0x7: {  	[smem:$0x7FF] =	sst s1;
	s4 =	sadd.s32 s5, s4;
	s12 =	sadd.s32 $0x1200, s6  }
0x8: {  	_ =	strace $0x80000047;
	s13 =	sadd.s32 $0x3200, s4;
	[dreg:$0x5] =	wrdreg s12  }
0x9: {  	s9 =	simm.s32 $0x800;
	s14 =	sadd.s32 $0x3A00, s4;
	[dreg:$0x6] =	wrdreg s13  }
0xa: {  	s10 =	simm.s32 $0x4800;
	s15 =	sadd.s32 $0xA200, s4;
	[dreg:$0x7] =	wrdreg s14  }
0xb: {  	s8 =	simm.s32 $0x2;
	s16 =	sadd.s32 $0xAA00, s4;
	[dreg:$0x8] =	wrdreg s15  }
0xc: {  	p1 =	por $0x0, $0x0;
	s17 =	sadd.s32 $0x4200, s4;
	[dreg:$0x9] =	wrdreg s16  }
0xd: {  	p0 =	sne.s32 s3, $0x0;
	s18 =	sadd.s32 $0x4A00, s4;
	[dreg:$0xa] =	wrdreg s17  }
0xe: {  	s11 =	simm.s32 $0x1;
	s19 =	sadd.s32 $0x5200, s4;
	[dreg:$0xb] =	wrdreg s18  }
0xf: {  	s3 =	simm.s32 $0x4;
	s20 =	sadd.s32 $0x5A00, s4;
	[dreg:$0xc] =	wrdreg s19  }
0x10: {  	s0 =	ssub.s32 $0x2, s0;
	s21 =	sadd.s32 $0x6200, s4;
	[dreg:$0xd] =	wrdreg s20  }
0x11: {  	s28 =	sshrl.u32 @!p0 s2, $0x3;
	s22 =	sadd.s32 $0x6A00, s4;
	[dreg:$0xe] =	wrdreg s21  }
0x12: {  	s25 =	sshrl.u32 s0, $0x1;
	s23 =	sadd.s32 $0x7200, s4;
	[dreg:$0xf] =	wrdreg s22  }
0x13: {  	s0 =	ssub.s32 s0, s25;
	s24 =	sadd.s32 $0x7A00, s4;
	[dreg:$0x10] =	wrdreg s23  }
0x14: {  	s5 =	simm.s32 $0x8800;
	s26 =	sadd.s32 $0x8200, s4;
	[dreg:$0x11] =	wrdreg s24  }
0x15: {  	s25 =	simm.s32 $0x180;
	s30 =	sadd.s32 $0x8A00, s4;
	[dreg:$0x12] =	wrdreg s26  }
0x16: {  	s0 =	smax.u32 s0, $0x1;
	s31 =	sadd.s32 $0x9200, s4;
	[dreg:$0x13] =	wrdreg s30  }
0x17: {  	s4 =	sadd.s32 $0x9A00, s4;
	[dreg:$0x14] =	wrdreg s31;
	s12 =	sadd.s32 $0xFFFFFFFF, s0  }
0x18: {  	s6 =	simm.s32 $0xC800;
	[dreg:$0x15] =	wrdreg s4;
	p2 =	sne.s32 s12, $0x0  }
.Ltmp0:
0x19: {  	s26 =	simm.s32 $0x5;
	s24 =	simm.s32 $0x100;
	(pc) =	sbr.rel @!p2 .LBB2_1-.Ltmp0, $4  }
0x1a: {  	s4 =	simm.s32 $0x3;
	s22 =	simm.s32 $0x200;
	s23 =	simm.s32 $0x280  }
0x1b: {  	s20 =	simm.s32 $0x300;
	s21 =	simm.s32 $0x380;
	s18 =	simm.s32 $0x400  }
0x1c: {  	s19 =	simm.s32 $0x480;
	s16 =	simm.s32 $0x500;
	s17 =	simm.s32 $0x580  }
0x1d: {  	s14 =	simm.s32 $0x600;
	s15 =	simm.s32 $0x680;
	s0 =	rddreg [dreg:$0x4]  }
0x1e: {  	s29 =	simm.s32 @!p0 $0x1C05;
	s30 =	simm.s32 @!p0 $0x5  }
0x1f: {  	[spmem:s28], [sflag:s29] =	dma.local @!p0 [hbm:s0], $0x2800  }
0x20: {  	_ =	swait.ge @!p0 [sflag:s30], $0x2800  }
0x21: {  	[sflag:s30] =	ssyncset.done @!p0 $0x0  }
0x22: {  	s0 =	rddreg [dreg:$0x5];
	[sflag:s30] =	ssyncadd.s32 @!p0 $0xFFFFD800  }
0x23: {  	[tilespmem:s1], [sflag:$0x5] =	stream.linear.gather [hbm4b:s0+s1], $0x800, $0x38;
	[tilespmem:$0x11C00] =	vst v63  }
0x24: {  	_ =	swait.ge [sflag:s26], $0x800  }
0x25: {  	[sflag:s26] =	ssyncset.done $0x0  }
0x26: {  	[sflag:s26] =	ssyncadd.s32 $0xFFFFF800  }
0x27: {  	[bflag:$0x0] =	sbarrier.arrive $0xFFFF  }
0x28: {  	[tilespmem:s9], [sflag:$0x1] =	stream.indirect.gather [spmem:s2], $0x80, s1, s7, $0xb8;
	[tilespmem:$0x11C00] =	vst v63  }
0x29: {  	_ = 	snop  }
0x2a: {  	[tilespmem:s10], [sflag:$0x1] =	stream.indirect.gather [spmem:s2], $0x80, s7, s7, $0xb8;
	[tilespmem:$0x11C00] =	vst v63  }
0x2b: {  	_ =	swait.ge [sflag:s11], $0x4000  }
0x2c: {  	[sflag:s11] =	ssyncset.done $0x0  }
0x2d: {  	[sflag:s11] =	ssyncadd.s32 $0xFFFFC000  }
0x2e: {  	_ =	swait.ge [sflag:s11], $0x4000  }
0x2f: {  	[sflag:s11] =	ssyncset.done $0x0  }
0x30: {  	s0 =	rddreg [dreg:$0x6];
	[sflag:s11] =	ssyncadd.s32 $0xFFFFC000  }
0x31: {  	[hbm4b:s0+s1] =	stream.linear.scatter [tilespmem:s9], [sflag:$0x3], $0x4000, $0x38;
	[tilespmem:$0x11C00] =	vst v63  }
0x32: {  	s31 =	rddreg [dreg:$0x7]  }
0x33: {  	[hbm4b:s31+s1] =	stream.linear.scatter [tilespmem:s10], [sflag:$0x3], $0x4000, $0x38;
	[tilespmem:$0x11C00] =	vst v63  }
0x34: {  	_ = 	snop  }
0x35: {  	[tilespmem:s5], [sflag:$0x2] =	stream.indirect.gather [spmem:s2], $0x80, s24, s7, $0xb8;
	[tilespmem:$0x11C00] =	vst v63  }
0x36: {  	_ = 	snop  }
0x37: {  	[tilespmem:s6], [sflag:$0x2] =	stream.indirect.gather [spmem:s2], $0x80, s25, s7, $0xb8;
	[tilespmem:$0x11C00] =	vst v63  }
0x38: {  	_ =	swait.ge [sflag:s8], $0x4000  }
0x39: {  	[sflag:s8] =	ssyncset.done $0x0  }
0x3a: {  	[sflag:s8] =	ssyncadd.s32 $0xFFFFC000  }
0x3b: {  	_ =	swait.ge [sflag:s8], $0x4000  }
0x3c: {  	[sflag:s8] =	ssyncset.done $0x0  }
0x3d: {  	s24 =	rddreg [dreg:$0xa];
	[sflag:s8] =	ssyncadd.s32 $0xFFFFC000  }
0x3e: {  	[hbm4b:s24+s1] =	stream.linear.scatter [tilespmem:s5], [sflag:$0x4], $0x4000, $0x38;
	[tilespmem:$0x11C00] =	vst v63  }
0x3f: {  	s31 =	rddreg [dreg:$0xb]  }
0x40: {  	[hbm4b:s31+s1] =	stream.linear.scatter [tilespmem:s6], [sflag:$0x4], $0x4000, $0x38;
	[tilespmem:$0x11C00] =	vst v63  }
0x41: {  	_ =	swait.ge [sflag:s4], $0x4000  }
0x42: {  	[sflag:s4] =	ssyncset.done $0x0  }
0x43: {  	[sflag:s4] =	ssyncadd.s32 $0xFFFFC000  }
0x44: {  	_ =	swait.ge [sflag:s4], $0x4000  }
0x45: {  	[sflag:s4] =	ssyncset.done $0x0  }
0x46: {  	[sflag:s4] =	ssyncadd.s32 $0xFFFFC000  }
0x47: {  	[tilespmem:s9], [sflag:$0x1] =	stream.indirect.gather [spmem:s2], $0x80, s22, s7, $0xb8;
	[tilespmem:$0x11C00] =	vst v63  }
0x48: {  	_ = 	snop  }
0x49: {  	[tilespmem:s10], [sflag:$0x1] =	stream.indirect.gather [spmem:s2], $0x80, s23, s7, $0xb8;
	[tilespmem:$0x11C00] =	vst v63  }
0x4a: {  	_ =	swait.ge [sflag:s11], $0x4000  }
0x4b: {  	[sflag:s11] =	ssyncset.done $0x0  }
0x4c: {  	[sflag:s11] =	ssyncadd.s32 $0xFFFFC000  }
0x4d: {  	_ =	swait.ge [sflag:s11], $0x4000  }
0x4e: {  	[sflag:s11] =	ssyncset.done $0x0  }
0x4f: {  	s25 =	rddreg [dreg:$0xc];
	[sflag:s11] =	ssyncadd.s32 $0xFFFFC000  }
0x50: {  	[hbm4b:s25+s1] =	stream.linear.scatter [tilespmem:s9], [sflag:$0x3], $0x4000, $0x38;
	[tilespmem:$0x11C00] =	vst v63  }
0x51: {  	s31 =	rddreg [dreg:$0xd]  }
0x52: {  	[hbm4b:s31+s1] =	stream.linear.scatter [tilespmem:s10], [sflag:$0x3], $0x4000, $0x38;
	[tilespmem:$0x11C00] =	vst v63  }
0x53: {  	_ =	swait.ge [sflag:s3], $0x4000  }
0x54: {  	[sflag:s3] =	ssyncset.done $0x0  }
0x55: {  	[sflag:s3] =	ssyncadd.s32 $0xFFFFC000  }
0x56: {  	_ =	swait.ge [sflag:s3], $0x4000  }
0x57: {  	[sflag:s3] =	ssyncset.done $0x0  }
0x58: {  	[sflag:s3] =	ssyncadd.s32 $0xFFFFC000  }
0x59: {  	[tilespmem:s5], [sflag:$0x2] =	stream.indirect.gather [spmem:s2], $0x80, s20, s7, $0xb8;
	[tilespmem:$0x11C00] =	vst v63  }
0x5a: {  	_ = 	snop  }
0x5b: {  	[tilespmem:s6], [sflag:$0x2] =	stream.indirect.gather [spmem:s2], $0x80, s21, s7, $0xb8;
	[tilespmem:$0x11C00] =	vst v63  }
0x5c: {  	_ =	swait.ge [sflag:s8], $0x4000  }
0x5d: {  	[sflag:s8] =	ssyncset.done $0x0  }
0x5e: {  	[sflag:s8] =	ssyncadd.s32 $0xFFFFC000  }
0x5f: {  	_ =	swait.ge [sflag:s8], $0x4000  }
0x60: {  	[sflag:s8] =	ssyncset.done $0x0  }
0x61: {  	s20 =	rddreg [dreg:$0xe];
	[sflag:s8] =	ssyncadd.s32 $0xFFFFC000  }
0x62: {  	[hbm4b:s20+s1] =	stream.linear.scatter [tilespmem:s5], [sflag:$0x4], $0x4000, $0x38;
	[tilespmem:$0x11C00] =	vst v63  }
0x63: {  	s31 =	rddreg [dreg:$0xf]  }
0x64: {  	[hbm4b:s31+s1] =	stream.linear.scatter [tilespmem:s6], [sflag:$0x4], $0x4000, $0x38;
	[tilespmem:$0x11C00] =	vst v63  }
0x65: {  	_ =	swait.ge [sflag:s4], $0x4000  }
0x66: {  	[sflag:s4] =	ssyncset.done $0x0  }
0x67: {  	[sflag:s4] =	ssyncadd.s32 $0xFFFFC000  }
0x68: {  	_ =	swait.ge [sflag:s4], $0x4000  }
0x69: {  	[sflag:s4] =	ssyncset.done $0x0  }
0x6a: {  	[sflag:s4] =	ssyncadd.s32 $0xFFFFC000  }
0x6b: {  	[tilespmem:s9], [sflag:$0x1] =	stream.indirect.gather [spmem:s2], $0x80, s18, s7, $0xb8;
	[tilespmem:$0x11C00] =	vst v63  }
0x6c: {  	_ = 	snop  }
0x6d: {  	[tilespmem:s10], [sflag:$0x1] =	stream.indirect.gather [spmem:s2], $0x80, s19, s7, $0xb8;
	[tilespmem:$0x11C00] =	vst v63  }
0x6e: {  	_ =	swait.ge [sflag:s11], $0x4000  }
0x6f: {  	[sflag:s11] =	ssyncset.done $0x0  }
0x70: {  	[sflag:s11] =	ssyncadd.s32 $0xFFFFC000  }
0x71: {  	_ =	swait.ge [sflag:s11], $0x4000  }
0x72: {  	[sflag:s11] =	ssyncset.done $0x0  }
0x73: {  	s21 =	rddreg [dreg:$0x10];
	[sflag:s11] =	ssyncadd.s32 $0xFFFFC000  }
0x74: {  	[hbm4b:s21+s1] =	stream.linear.scatter [tilespmem:s9], [sflag:$0x3], $0x4000, $0x38;
	[tilespmem:$0x11C00] =	vst v63  }
0x75: {  	s31 =	rddreg [dreg:$0x11]  }
0x76: {  	[hbm4b:s31+s1] =	stream.linear.scatter [tilespmem:s10], [sflag:$0x3], $0x4000, $0x38;
	[tilespmem:$0x11C00] =	vst v63  }
0x77: {  	_ =	swait.ge [sflag:s3], $0x4000  }
0x78: {  	[sflag:s3] =	ssyncset.done $0x0  }
0x79: {  	[sflag:s3] =	ssyncadd.s32 $0xFFFFC000  }
0x7a: {  	_ =	swait.ge [sflag:s3], $0x4000  }
0x7b: {  	[sflag:s3] =	ssyncset.done $0x0  }
0x7c: {  	[sflag:s3] =	ssyncadd.s32 $0xFFFFC000  }
0x7d: {  	[tilespmem:s5], [sflag:$0x2] =	stream.indirect.gather [spmem:s2], $0x80, s16, s7, $0xb8;
	[tilespmem:$0x11C00] =	vst v63  }
0x7e: {  	_ = 	snop  }
0x7f: {  	[tilespmem:s6], [sflag:$0x2] =	stream.indirect.gather [spmem:s2], $0x80, s17, s7, $0xb8;
	[tilespmem:$0x11C00] =	vst v63  }
0x80: {  	_ =	swait.ge [sflag:s8], $0x4000  }
0x81: {  	[sflag:s8] =	ssyncset.done $0x0  }
0x82: {  	[sflag:s8] =	ssyncadd.s32 $0xFFFFC000  }
0x83: {  	_ =	swait.ge [sflag:s8], $0x4000  }
0x84: {  	[sflag:s8] =	ssyncset.done $0x0  }
0x85: {  	s22 =	rddreg [dreg:$0x12];
	[sflag:s8] =	ssyncadd.s32 $0xFFFFC000  }
0x86: {  	[hbm4b:s22+s1] =	stream.linear.scatter [tilespmem:s5], [sflag:$0x4], $0x4000, $0x38;
	[tilespmem:$0x11C00] =	vst v63  }
0x87: {  	s31 =	rddreg [dreg:$0x13]  }
0x88: {  	[hbm4b:s31+s1] =	stream.linear.scatter [tilespmem:s6], [sflag:$0x4], $0x4000, $0x38;
	[tilespmem:$0x11C00] =	vst v63  }
0x89: {  	_ =	swait.ge [sflag:s4], $0x4000  }
0x8a: {  	[sflag:s4] =	ssyncset.done $0x0  }
0x8b: {  	[sflag:s4] =	ssyncadd.s32 $0xFFFFC000  }
0x8c: {  	_ =	swait.ge [sflag:s4], $0x4000  }
0x8d: {  	[sflag:s4] =	ssyncset.done $0x0  }
0x8e: {  	[sflag:s4] =	ssyncadd.s32 $0xFFFFC000  }
0x8f: {  	[tilespmem:s9], [sflag:$0x1] =	stream.indirect.gather [spmem:s2], $0x80, s14, s7, $0xb8;
	[tilespmem:$0x11C00] =	vst v63  }
0x90: {  	_ = 	snop  }
0x91: {  	[tilespmem:s10], [sflag:$0x1] =	stream.indirect.gather [spmem:s2], $0x80, s15, s7, $0xb8;
	[tilespmem:$0x11C00] =	vst v63  }
0x92: {  	_ =	swait.ge [sflag:s11], $0x4000  }
0x93: {  	[sflag:s11] =	ssyncset.done $0x0  }
0x94: {  	[sflag:s11] =	ssyncadd.s32 $0xFFFFC000  }
0x95: {  	_ =	swait.ge [sflag:s11], $0x4000  }
0x96: {  	[sflag:s11] =	ssyncset.done $0x0  }
0x97: {  	s23 =	rddreg [dreg:$0x14];
	[sflag:s11] =	ssyncadd.s32 $0xFFFFC000  }
0x98: {  	[hbm4b:s23+s1] =	stream.linear.scatter [tilespmem:s9], [sflag:$0x3], $0x4000, $0x38;
	[tilespmem:$0x11C00] =	vst v63  }
0x99: {  	s31 =	rddreg [dreg:$0x15]  }
0x9a: {  	[hbm4b:s31+s1] =	stream.linear.scatter [tilespmem:s10], [sflag:$0x3], $0x4000, $0x38;
	[tilespmem:$0x11C00] =	vst v63  }
0x9b: {  	_ =	swait.ge [sflag:s3], $0x4000  }
0x9c: {  	[sflag:s3] =	ssyncset.done $0x0  }
0x9d: {  	[sflag:s3] =	ssyncadd.s32 $0xFFFFC000  }
0x9e: {  	_ =	swait.ge [sflag:s3], $0x4000  }
0x9f: {  	[sflag:s3] =	ssyncset.done $0x0  }
0xa0: {  	s13 =	simm.s32 $0x700;
	[sflag:s3] =	ssyncadd.s32 $0xFFFFC000  }
0xa1: {  	[tilespmem:s5], [sflag:$0x2] =	stream.indirect.gather [spmem:s2], $0x80, s13, s7, $0xb8;
	[tilespmem:$0x11C00] =	vst v63  }
0xa2: {  	s24 =	simm.s32 $0x780  }
0xa3: {  	[tilespmem:s6], [sflag:$0x2] =	stream.indirect.gather [spmem:s2], $0x80, s24, s7, $0xb8;
	[tilespmem:$0x11C00] =	vst v63  }
0xa4: {  	_ =	swait.ge [sflag:s8], $0x4000  }
0xa5: {  	[sflag:s8] =	ssyncset.done $0x0  }
0xa6: {  	[sflag:s8] =	ssyncadd.s32 $0xFFFFC000  }
0xa7: {  	_ =	swait.ge [sflag:s8], $0x4000  }
0xa8: {  	[sflag:s8] =	ssyncset.done $0x0  }
0xa9: {  	s25 =	rddreg [dreg:$0x8];
	[sflag:s8] =	ssyncadd.s32 $0xFFFFC000  }
0xaa: {  	[hbm4b:s25+s1] =	stream.linear.scatter [tilespmem:s5], [sflag:$0x4], $0x4000, $0x38;
	[tilespmem:$0x11C00] =	vst v63  }
0xab: {  	s31 =	rddreg [dreg:$0x9]  }
0xac: {  	[hbm4b:s31+s1] =	stream.linear.scatter [tilespmem:s6], [sflag:$0x4], $0x4000, $0x38;
	[tilespmem:$0x11C00] =	vst v63  }
0xad: {  	_ =	swait.ge [sflag:s4], $0x4000  }
0xae: {  	p1 =	por $0x1, $0x1;
	[sflag:s4] =	ssyncset.done $0x0  }
0xaf: {  	s29 =	simm.s32 $0x180;
	s20 =	simm.s32 $0x480;
	[sflag:s4] =	ssyncadd.s32 $0xFFFFC000  }
0xb0: {  	s18 =	simm.s32 $0x580;
	s19 =	simm.s32 $0x400;
	_ =	swait.ge [sflag:s4], $0x4000  }
0xb1: {  	s21 =	simm.s32 $0x300;
	s31 =	sadd.s32 $0xFFFFFFFF, s12;
	[sflag:s4] =	ssyncset.done $0x0  }
0xb2: {  	s16 =	simm.s32 $0x680;
	p2 =	sne.s32 s31, $0x0;
	[sflag:s4] =	ssyncadd.s32 $0xFFFFC000  }
.Ltmp1:
0xb3: {  	s17 =	simm.s32 $0x500;
	_ =	swait.ge [sflag:s3], $0x4000;
	(pc) =	sbr.rel @!p2 .LBB2_3-.Ltmp1, $4  }
0xb4: {  	s22 =	simm.s32 $0x380;
	s14 =	simm.s32 $0x780;
	[sflag:s3] =	ssyncset.done $0x0  }
0xb5: {  	s15 =	simm.s32 $0x600;
	s23 =	simm.s32 $0x200;
	[sflag:s3] =	ssyncadd.s32 $0xFFFFC000  }
0xb6: {  	s13 =	simm.s32 $0x700;
	s24 =	simm.s32 $0x280;
	_ =	swait.ge [sflag:s3], $0x4000  }
0xb7: {  	s25 =	simm.s32 $0x100;
	s0 =	rddreg [dreg:$0x4];
	[sflag:s3] =	ssyncset.done $0x0  }
.LBB2_4:
0xb8: {  	[sflag:s3] =	ssyncadd.s32 $0xFFFFC000;
	s12 =	simm.s32 @!p0 $0x1C05  }
0xb9: {  	[spmem:s28], [sflag:s12] =	dma.local @!p0 [hbm:s0], $0x2800  }
0xba: {  	_ =	swait.ge @!p0 [sflag:s30], $0x2800  }
0xbb: {  	[sflag:s30] =	ssyncset.done @!p0 $0x0  }
0xbc: {  	s12 =	rddreg [dreg:$0x5];
	[sflag:s30] =	ssyncadd.s32 @!p0 $0xFFFFD800  }
0xbd: {  	[tilespmem:s1], [sflag:$0x5] =	stream.linear.gather [hbm4b:s12+s1], $0x800, $0x38;
	[tilespmem:$0x11C00] =	vst v63  }
0xbe: {  	_ =	swait.ge [sflag:s26], $0x800  }
0xbf: {  	[sflag:s26] =	ssyncset.done $0x0  }
0xc0: {  	[sflag:s26] =	ssyncadd.s32 $0xFFFFF800  }
0xc1: {  	[bflag:$0x0] =	sbarrier.arrive $0xFFFF  }
0xc2: {  	[tilespmem:s9], [sflag:$0x1] =	stream.indirect.gather [spmem:s2], $0x80, s1, s7, $0xb8;
	[tilespmem:$0x11C00] =	vst v63  }
0xc3: {  	_ = 	snop  }
0xc4: {  	[tilespmem:s10], [sflag:$0x1] =	stream.indirect.gather [spmem:s2], $0x80, s7, s7, $0xb8;
	[tilespmem:$0x11C00] =	vst v63  }
0xc5: {  	_ =	swait.ge [sflag:s11], $0x4000  }
0xc6: {  	[sflag:s11] =	ssyncset.done $0x0  }
0xc7: {  	[sflag:s11] =	ssyncadd.s32 $0xFFFFC000  }
0xc8: {  	_ =	swait.ge [sflag:s11], $0x4000  }
0xc9: {  	[sflag:s11] =	ssyncset.done $0x0  }
0xca: {  	s0 =	rddreg [dreg:$0x6];
	[sflag:s11] =	ssyncadd.s32 $0xFFFFC000  }
0xcb: {  	[hbm4b:s0+s1] =	stream.linear.scatter [tilespmem:s9], [sflag:$0x3], $0x4000, $0x38;
	[tilespmem:$0x11C00] =	vst v63  }
0xcc: {  	s12 =	rddreg [dreg:$0x7]  }
0xcd: {  	[hbm4b:s12+s1] =	stream.linear.scatter [tilespmem:s10], [sflag:$0x3], $0x4000, $0x38;
	[tilespmem:$0x11C00] =	vst v63  }
0xce: {  	_ = 	snop  }
0xcf: {  	[tilespmem:s5], [sflag:$0x2] =	stream.indirect.gather [spmem:s2], $0x80, s25, s7, $0xb8;
	[tilespmem:$0x11C00] =	vst v63  }
0xd0: {  	_ = 	snop  }
0xd1: {  	[tilespmem:s6], [sflag:$0x2] =	stream.indirect.gather [spmem:s2], $0x80, s29, s7, $0xb8;
	[tilespmem:$0x11C00] =	vst v63  }
0xd2: {  	_ =	swait.ge [sflag:s8], $0x4000  }
0xd3: {  	[sflag:s8] =	ssyncset.done $0x0  }
0xd4: {  	[sflag:s8] =	ssyncadd.s32 $0xFFFFC000  }
0xd5: {  	_ =	swait.ge [sflag:s8], $0x4000  }
0xd6: {  	[sflag:s8] =	ssyncset.done $0x0  }
0xd7: {  	s0 =	rddreg [dreg:$0xa];
	[sflag:s8] =	ssyncadd.s32 $0xFFFFC000  }
0xd8: {  	[hbm4b:s0+s1] =	stream.linear.scatter [tilespmem:s5], [sflag:$0x4], $0x4000, $0x38;
	[tilespmem:$0x11C00] =	vst v63  }
0xd9: {  	s12 =	rddreg [dreg:$0xb]  }
0xda: {  	[hbm4b:s12+s1] =	stream.linear.scatter [tilespmem:s6], [sflag:$0x4], $0x4000, $0x38;
	[tilespmem:$0x11C00] =	vst v63  }
0xdb: {  	_ =	swait.ge [sflag:s4], $0x4000  }
0xdc: {  	[sflag:s4] =	ssyncset.done $0x0  }
0xdd: {  	[sflag:s4] =	ssyncadd.s32 $0xFFFFC000  }
0xde: {  	_ =	swait.ge [sflag:s4], $0x4000  }
0xdf: {  	[sflag:s4] =	ssyncset.done $0x0  }
0xe0: {  	[sflag:s4] =	ssyncadd.s32 $0xFFFFC000  }
0xe1: {  	[tilespmem:s9], [sflag:$0x1] =	stream.indirect.gather [spmem:s2], $0x80, s23, s7, $0xb8;
	[tilespmem:$0x11C00] =	vst v63  }
0xe2: {  	_ = 	snop  }
0xe3: {  	[tilespmem:s10], [sflag:$0x1] =	stream.indirect.gather [spmem:s2], $0x80, s24, s7, $0xb8;
	[tilespmem:$0x11C00] =	vst v63  }
0xe4: {  	_ =	swait.ge [sflag:s11], $0x4000  }
0xe5: {  	[sflag:s11] =	ssyncset.done $0x0  }
0xe6: {  	[sflag:s11] =	ssyncadd.s32 $0xFFFFC000  }
0xe7: {  	_ =	swait.ge [sflag:s11], $0x4000  }
0xe8: {  	[sflag:s11] =	ssyncset.done $0x0  }
0xe9: {  	s0 =	rddreg [dreg:$0xc];
	[sflag:s11] =	ssyncadd.s32 $0xFFFFC000  }
0xea: {  	[hbm4b:s0+s1] =	stream.linear.scatter [tilespmem:s9], [sflag:$0x3], $0x4000, $0x38;
	[tilespmem:$0x11C00] =	vst v63  }
0xeb: {  	s12 =	rddreg [dreg:$0xd]  }
0xec: {  	[hbm4b:s12+s1] =	stream.linear.scatter [tilespmem:s10], [sflag:$0x3], $0x4000, $0x38;
	[tilespmem:$0x11C00] =	vst v63  }
0xed: {  	_ =	swait.ge [sflag:s3], $0x4000  }
0xee: {  	[sflag:s3] =	ssyncset.done $0x0  }
0xef: {  	[sflag:s3] =	ssyncadd.s32 $0xFFFFC000  }
0xf0: {  	_ =	swait.ge [sflag:s3], $0x4000  }
0xf1: {  	[sflag:s3] =	ssyncset.done $0x0  }
0xf2: {  	[sflag:s3] =	ssyncadd.s32 $0xFFFFC000  }
0xf3: {  	[tilespmem:s5], [sflag:$0x2] =	stream.indirect.gather [spmem:s2], $0x80, s21, s7, $0xb8;
	[tilespmem:$0x11C00] =	vst v63  }
0xf4: {  	_ = 	snop  }
0xf5: {  	[tilespmem:s6], [sflag:$0x2] =	stream.indirect.gather [spmem:s2], $0x80, s22, s7, $0xb8;
	[tilespmem:$0x11C00] =	vst v63  }
0xf6: {  	_ =	swait.ge [sflag:s8], $0x4000  }
0xf7: {  	[sflag:s8] =	ssyncset.done $0x0  }
0xf8: {  	[sflag:s8] =	ssyncadd.s32 $0xFFFFC000  }
0xf9: {  	_ =	swait.ge [sflag:s8], $0x4000  }
0xfa: {  	[sflag:s8] =	ssyncset.done $0x0  }
0xfb: {  	s0 =	rddreg [dreg:$0xe];
	[sflag:s8] =	ssyncadd.s32 $0xFFFFC000  }
0xfc: {  	[hbm4b:s0+s1] =	stream.linear.scatter [tilespmem:s5], [sflag:$0x4], $0x4000, $0x38;
	[tilespmem:$0x11C00] =	vst v63  }
0xfd: {  	s12 =	rddreg [dreg:$0xf]  }
0xfe: {  	[hbm4b:s12+s1] =	stream.linear.scatter [tilespmem:s6], [sflag:$0x4], $0x4000, $0x38;
	[tilespmem:$0x11C00] =	vst v63  }
0xff: {  	_ =	swait.ge [sflag:s4], $0x4000  }
0x100: {  	[sflag:s4] =	ssyncset.done $0x0  }
0x101: {  	[sflag:s4] =	ssyncadd.s32 $0xFFFFC000  }
0x102: {  	_ =	swait.ge [sflag:s4], $0x4000  }
0x103: {  	[sflag:s4] =	ssyncset.done $0x0  }
0x104: {  	[sflag:s4] =	ssyncadd.s32 $0xFFFFC000  }
0x105: {  	[tilespmem:s9], [sflag:$0x1] =	stream.indirect.gather [spmem:s2], $0x80, s19, s7, $0xb8;
	[tilespmem:$0x11C00] =	vst v63  }
0x106: {  	_ = 	snop  }
0x107: {  	[tilespmem:s10], [sflag:$0x1] =	stream.indirect.gather [spmem:s2], $0x80, s20, s7, $0xb8;
	[tilespmem:$0x11C00] =	vst v63  }
0x108: {  	_ =	swait.ge [sflag:s11], $0x4000  }
0x109: {  	[sflag:s11] =	ssyncset.done $0x0  }
0x10a: {  	[sflag:s11] =	ssyncadd.s32 $0xFFFFC000  }
0x10b: {  	_ =	swait.ge [sflag:s11], $0x4000  }
0x10c: {  	[sflag:s11] =	ssyncset.done $0x0  }
0x10d: {  	s0 =	rddreg [dreg:$0x10];
	[sflag:s11] =	ssyncadd.s32 $0xFFFFC000  }
0x10e: {  	[hbm4b:s0+s1] =	stream.linear.scatter [tilespmem:s9], [sflag:$0x3], $0x4000, $0x38;
	[tilespmem:$0x11C00] =	vst v63  }
0x10f: {  	s12 =	rddreg [dreg:$0x11]  }
0x110: {  	[hbm4b:s12+s1] =	stream.linear.scatter [tilespmem:s10], [sflag:$0x3], $0x4000, $0x38;
	[tilespmem:$0x11C00] =	vst v63  }
0x111: {  	_ =	swait.ge [sflag:s3], $0x4000  }
0x112: {  	[sflag:s3] =	ssyncset.done $0x0  }
0x113: {  	[sflag:s3] =	ssyncadd.s32 $0xFFFFC000  }
0x114: {  	_ =	swait.ge [sflag:s3], $0x4000  }
0x115: {  	[sflag:s3] =	ssyncset.done $0x0  }
0x116: {  	[sflag:s3] =	ssyncadd.s32 $0xFFFFC000  }
0x117: {  	[tilespmem:s5], [sflag:$0x2] =	stream.indirect.gather [spmem:s2], $0x80, s17, s7, $0xb8;
	[tilespmem:$0x11C00] =	vst v63  }
0x118: {  	_ = 	snop  }
0x119: {  	[tilespmem:s6], [sflag:$0x2] =	stream.indirect.gather [spmem:s2], $0x80, s18, s7, $0xb8;
	[tilespmem:$0x11C00] =	vst v63  }
0x11a: {  	_ =	swait.ge [sflag:s8], $0x4000  }
0x11b: {  	[sflag:s8] =	ssyncset.done $0x0  }
0x11c: {  	[sflag:s8] =	ssyncadd.s32 $0xFFFFC000  }
0x11d: {  	_ =	swait.ge [sflag:s8], $0x4000  }
0x11e: {  	[sflag:s8] =	ssyncset.done $0x0  }
0x11f: {  	s0 =	rddreg [dreg:$0x12];
	[sflag:s8] =	ssyncadd.s32 $0xFFFFC000  }
0x120: {  	[hbm4b:s0+s1] =	stream.linear.scatter [tilespmem:s5], [sflag:$0x4], $0x4000, $0x38;
	[tilespmem:$0x11C00] =	vst v63  }
0x121: {  	s12 =	rddreg [dreg:$0x13]  }
0x122: {  	[hbm4b:s12+s1] =	stream.linear.scatter [tilespmem:s6], [sflag:$0x4], $0x4000, $0x38;
	[tilespmem:$0x11C00] =	vst v63  }
0x123: {  	_ =	swait.ge [sflag:s4], $0x4000  }
0x124: {  	[sflag:s4] =	ssyncset.done $0x0  }
0x125: {  	[sflag:s4] =	ssyncadd.s32 $0xFFFFC000  }
0x126: {  	_ =	swait.ge [sflag:s4], $0x4000  }
0x127: {  	[sflag:s4] =	ssyncset.done $0x0  }
0x128: {  	[sflag:s4] =	ssyncadd.s32 $0xFFFFC000  }
0x129: {  	[tilespmem:s9], [sflag:$0x1] =	stream.indirect.gather [spmem:s2], $0x80, s15, s7, $0xb8;
	[tilespmem:$0x11C00] =	vst v63  }
0x12a: {  	_ = 	snop  }
0x12b: {  	[tilespmem:s10], [sflag:$0x1] =	stream.indirect.gather [spmem:s2], $0x80, s16, s7, $0xb8;
	[tilespmem:$0x11C00] =	vst v63  }
0x12c: {  	_ =	swait.ge [sflag:s11], $0x4000  }
0x12d: {  	[sflag:s11] =	ssyncset.done $0x0  }
0x12e: {  	[sflag:s11] =	ssyncadd.s32 $0xFFFFC000  }
0x12f: {  	_ =	swait.ge [sflag:s11], $0x4000  }
0x130: {  	[sflag:s11] =	ssyncset.done $0x0  }
0x131: {  	s0 =	rddreg [dreg:$0x14];
	[sflag:s11] =	ssyncadd.s32 $0xFFFFC000  }
0x132: {  	[hbm4b:s0+s1] =	stream.linear.scatter [tilespmem:s9], [sflag:$0x3], $0x4000, $0x38;
	[tilespmem:$0x11C00] =	vst v63  }
0x133: {  	s12 =	rddreg [dreg:$0x15]  }
0x134: {  	[hbm4b:s12+s1] =	stream.linear.scatter [tilespmem:s10], [sflag:$0x3], $0x4000, $0x38;
	[tilespmem:$0x11C00] =	vst v63  }
0x135: {  	_ =	swait.ge [sflag:s3], $0x4000  }
0x136: {  	[sflag:s3] =	ssyncset.done $0x0  }
0x137: {  	[sflag:s3] =	ssyncadd.s32 $0xFFFFC000  }
0x138: {  	_ =	swait.ge [sflag:s3], $0x4000  }
0x139: {  	[sflag:s3] =	ssyncset.done $0x0  }
0x13a: {  	[sflag:s3] =	ssyncadd.s32 $0xFFFFC000  }
0x13b: {  	[tilespmem:s5], [sflag:$0x2] =	stream.indirect.gather [spmem:s2], $0x80, s13, s7, $0xb8;
	[tilespmem:$0x11C00] =	vst v63  }
0x13c: {  	_ = 	snop  }
0x13d: {  	[tilespmem:s6], [sflag:$0x2] =	stream.indirect.gather [spmem:s2], $0x80, s14, s7, $0xb8;
	[tilespmem:$0x11C00] =	vst v63  }
0x13e: {  	_ =	swait.ge [sflag:s8], $0x4000  }
0x13f: {  	[sflag:s8] =	ssyncset.done $0x0  }
0x140: {  	[sflag:s8] =	ssyncadd.s32 $0xFFFFC000  }
0x141: {  	_ =	swait.ge [sflag:s8], $0x4000  }
0x142: {  	[sflag:s8] =	ssyncset.done $0x0  }
0x143: {  	s0 =	rddreg [dreg:$0x8];
	[sflag:s8] =	ssyncadd.s32 $0xFFFFC000  }
0x144: {  	[hbm4b:s0+s1] =	stream.linear.scatter [tilespmem:s5], [sflag:$0x4], $0x4000, $0x38;
	[tilespmem:$0x11C00] =	vst v63  }
0x145: {  	s12 =	rddreg [dreg:$0x9]  }
0x146: {  	[hbm4b:s12+s1] =	stream.linear.scatter [tilespmem:s6], [sflag:$0x4], $0x4000, $0x38;
	[tilespmem:$0x11C00] =	vst v63  }
0x147: {  	_ =	swait.ge [sflag:s4], $0x4000  }
0x148: {  	[sflag:s4] =	ssyncset.done $0x0  }
0x149: {  	[sflag:s4] =	ssyncadd.s32 $0xFFFFC000  }
0x14a: {  	_ =	swait.ge [sflag:s4], $0x4000  }
0x14b: {  	s31 =	sadd.s32 $0xFFFFFFFF, s31;
	[sflag:s4] =	ssyncset.done $0x0  }
0x14c: {  	p2 =	sne.s32 s31, $0x0;
	[sflag:s4] =	ssyncadd.s32 $0xFFFFC000  }
.Ltmp2:
0x14d: {  	_ =	swait.ge [sflag:s3], $0x4000;
	(pc) =	sbr.rel @p2 .LBB2_4-.Ltmp2, $4  }
0x14e: {  	[sflag:s3] =	ssyncset.done $0x0  }
0x14f: {  	[sflag:s3] =	ssyncadd.s32 $0xFFFFC000  }
0x150: {  	_ =	swait.ge [sflag:s3], $0x4000  }
0x151: {  	s0 =	rddreg [dreg:$0x4];
	[sflag:s3] =	ssyncset.done $0x0  }
0x152: {  	s30 =	simm.s32 $0x180;
	s25 =	simm.s32 $0x100;
	s24 =	simm.s32 $0x280  }
0x153: {  	s23 =	simm.s32 $0x200;
	s22 =	simm.s32 $0x380;
	s21 =	simm.s32 $0x300  }
0x154: {  	s20 =	simm.s32 $0x480;
	s19 =	simm.s32 $0x400;
	s18 =	simm.s32 $0x580  }
0x155: {  	s17 =	simm.s32 $0x500;
	s16 =	simm.s32 $0x680;
	s15 =	simm.s32 $0x600  }
0x156: {  	s14 =	simm.s32 $0x780;
	s13 =	simm.s32 $0x700;
	s29 =	rddreg [dreg:$0x3]  }
.LBB2_6:
0x157: {  	[sflag:s3] =	ssyncadd.s32 @p1 $0xFFFFC000;
	s12 =	simm.s32 @!p0 $0x1C05  }
0x158: {  	[spmem:s28], [sflag:s12] =	dma.local @!p0 [hbm:s0], $0x2800  }
0x159: {  	s0 =	simm.s32 @!p0 $0x5  }
0x15a: {  	_ =	swait.ge @!p0 [sflag:s0], $0x2800  }
0x15b: {  	[sflag:s0] =	ssyncset.done @!p0 $0x0  }
0x15c: {  	s31 =	rddreg [dreg:$0x5];
	[sflag:s0] =	ssyncadd.s32 @!p0 $0xFFFFD800  }
0x15d: {  	[tilespmem:s1], [sflag:$0x5] =	stream.linear.gather [hbm4b:s31+s1], $0x800, $0x38;
	[tilespmem:$0x11C00] =	vst v63  }
0x15e: {  	_ =	swait.ge [sflag:s26], $0x800  }
0x15f: {  	[sflag:s26] =	ssyncset.done $0x0  }
0x160: {  	[sflag:s26] =	ssyncadd.s32 $0xFFFFF800  }
0x161: {  	[bflag:$0x0] =	sbarrier.arrive $0xFFFF  }
0x162: {  	[tilespmem:s9], [sflag:$0x1] =	stream.indirect.gather [spmem:s2], $0x80, s1, s7, $0xb8;
	[tilespmem:$0x11C00] =	vst v63  }
0x163: {  	_ = 	snop  }
0x164: {  	[tilespmem:s10], [sflag:$0x1] =	stream.indirect.gather [spmem:s2], $0x80, s7, s7, $0xb8;
	[tilespmem:$0x11C00] =	vst v63  }
0x165: {  	_ =	swait.ge [sflag:s11], $0x4000  }
0x166: {  	[sflag:s11] =	ssyncset.done $0x0  }
0x167: {  	[sflag:s11] =	ssyncadd.s32 $0xFFFFC000  }
0x168: {  	_ =	swait.ge [sflag:s11], $0x4000  }
0x169: {  	[sflag:s11] =	ssyncset.done $0x0  }
0x16a: {  	s28 =	rddreg [dreg:$0x6];
	[sflag:s11] =	ssyncadd.s32 $0xFFFFC000  }
0x16b: {  	[hbm4b:s28+s1] =	stream.linear.scatter [tilespmem:s9], [sflag:$0x3], $0x4000, $0x38;
	[tilespmem:$0x11C00] =	vst v63  }
0x16c: {  	s31 =	rddreg [dreg:$0x7]  }
0x16d: {  	[hbm4b:s31+s1] =	stream.linear.scatter [tilespmem:s10], [sflag:$0x3], $0x4000, $0x38;
	[tilespmem:$0x11C00] =	vst v63  }
0x16e: {  	_ = 	snop  }
0x16f: {  	[tilespmem:s5], [sflag:$0x2] =	stream.indirect.gather [spmem:s2], $0x80, s25, s7, $0xb8;
	[tilespmem:$0x11C00] =	vst v63  }
0x170: {  	_ = 	snop  }
0x171: {  	[tilespmem:s6], [sflag:$0x2] =	stream.indirect.gather [spmem:s2], $0x80, s30, s7, $0xb8;
	[tilespmem:$0x11C00] =	vst v63  }
0x172: {  	_ =	swait.ge [sflag:s8], $0x4000  }
0x173: {  	[sflag:s8] =	ssyncset.done $0x0  }
0x174: {  	[sflag:s8] =	ssyncadd.s32 $0xFFFFC000  }
0x175: {  	_ =	swait.ge [sflag:s8], $0x4000  }
0x176: {  	[sflag:s8] =	ssyncset.done $0x0  }
0x177: {  	s26 =	rddreg [dreg:$0xa];
	[sflag:s8] =	ssyncadd.s32 $0xFFFFC000  }
0x178: {  	[hbm4b:s26+s1] =	stream.linear.scatter [tilespmem:s5], [sflag:$0x4], $0x4000, $0x38;
	[tilespmem:$0x11C00] =	vst v63  }
0x179: {  	s28 =	rddreg [dreg:$0xb]  }
0x17a: {  	[hbm4b:s28+s1] =	stream.linear.scatter [tilespmem:s6], [sflag:$0x4], $0x4000, $0x38;
	[tilespmem:$0x11C00] =	vst v63  }
0x17b: {  	_ =	swait.ge [sflag:s4], $0x4000  }
0x17c: {  	[sflag:s4] =	ssyncset.done $0x0  }
0x17d: {  	[sflag:s4] =	ssyncadd.s32 $0xFFFFC000  }
0x17e: {  	_ =	swait.ge [sflag:s4], $0x4000  }
0x17f: {  	[sflag:s4] =	ssyncset.done $0x0  }
0x180: {  	[sflag:s4] =	ssyncadd.s32 $0xFFFFC000  }
0x181: {  	[tilespmem:s9], [sflag:$0x1] =	stream.indirect.gather [spmem:s2], $0x80, s23, s7, $0xb8;
	[tilespmem:$0x11C00] =	vst v63  }
0x182: {  	_ = 	snop  }
0x183: {  	[tilespmem:s10], [sflag:$0x1] =	stream.indirect.gather [spmem:s2], $0x80, s24, s7, $0xb8;
	[tilespmem:$0x11C00] =	vst v63  }
0x184: {  	_ =	swait.ge [sflag:s11], $0x4000  }
0x185: {  	[sflag:s11] =	ssyncset.done $0x0  }
0x186: {  	[sflag:s11] =	ssyncadd.s32 $0xFFFFC000  }
0x187: {  	_ =	swait.ge [sflag:s11], $0x4000  }
0x188: {  	[sflag:s11] =	ssyncset.done $0x0  }
0x189: {  	s30 =	rddreg [dreg:$0xc];
	[sflag:s11] =	ssyncadd.s32 $0xFFFFC000  }
0x18a: {  	[hbm4b:s30+s1] =	stream.linear.scatter [tilespmem:s9], [sflag:$0x3], $0x4000, $0x38;
	[tilespmem:$0x11C00] =	vst v63  }
0x18b: {  	s31 =	rddreg [dreg:$0xd]  }
0x18c: {  	[hbm4b:s31+s1] =	stream.linear.scatter [tilespmem:s10], [sflag:$0x3], $0x4000, $0x38;
	[tilespmem:$0x11C00] =	vst v63  }
0x18d: {  	_ =	swait.ge [sflag:s3], $0x4000  }
0x18e: {  	[sflag:s3] =	ssyncset.done $0x0  }
0x18f: {  	[sflag:s3] =	ssyncadd.s32 $0xFFFFC000  }
0x190: {  	_ =	swait.ge [sflag:s3], $0x4000  }
0x191: {  	[sflag:s3] =	ssyncset.done $0x0  }
0x192: {  	[sflag:s3] =	ssyncadd.s32 $0xFFFFC000  }
0x193: {  	[tilespmem:s5], [sflag:$0x2] =	stream.indirect.gather [spmem:s2], $0x80, s21, s7, $0xb8;
	[tilespmem:$0x11C00] =	vst v63  }
0x194: {  	_ = 	snop  }
0x195: {  	[tilespmem:s6], [sflag:$0x2] =	stream.indirect.gather [spmem:s2], $0x80, s22, s7, $0xb8;
	[tilespmem:$0x11C00] =	vst v63  }
0x196: {  	_ =	swait.ge [sflag:s8], $0x4000  }
0x197: {  	[sflag:s8] =	ssyncset.done $0x0  }
0x198: {  	[sflag:s8] =	ssyncadd.s32 $0xFFFFC000  }
0x199: {  	_ =	swait.ge [sflag:s8], $0x4000  }
0x19a: {  	[sflag:s8] =	ssyncset.done $0x0  }
0x19b: {  	s12 =	rddreg [dreg:$0xe];
	[sflag:s8] =	ssyncadd.s32 $0xFFFFC000  }
0x19c: {  	[hbm4b:s12+s1] =	stream.linear.scatter [tilespmem:s5], [sflag:$0x4], $0x4000, $0x38;
	[tilespmem:$0x11C00] =	vst v63  }
0x19d: {  	s21 =	rddreg [dreg:$0xf]  }
0x19e: {  	[hbm4b:s21+s1] =	stream.linear.scatter [tilespmem:s6], [sflag:$0x4], $0x4000, $0x38;
	[tilespmem:$0x11C00] =	vst v63  }
0x19f: {  	_ =	swait.ge [sflag:s4], $0x4000  }
0x1a0: {  	[sflag:s4] =	ssyncset.done $0x0  }
0x1a1: {  	[sflag:s4] =	ssyncadd.s32 $0xFFFFC000  }
0x1a2: {  	_ =	swait.ge [sflag:s4], $0x4000  }
0x1a3: {  	[sflag:s4] =	ssyncset.done $0x0  }
0x1a4: {  	[sflag:s4] =	ssyncadd.s32 $0xFFFFC000  }
0x1a5: {  	[tilespmem:s9], [sflag:$0x1] =	stream.indirect.gather [spmem:s2], $0x80, s19, s7, $0xb8;
	[tilespmem:$0x11C00] =	vst v63  }
0x1a6: {  	_ = 	snop  }
0x1a7: {  	[tilespmem:s10], [sflag:$0x1] =	stream.indirect.gather [spmem:s2], $0x80, s20, s7, $0xb8;
	[tilespmem:$0x11C00] =	vst v63  }
0x1a8: {  	_ =	swait.ge [sflag:s11], $0x4000  }
0x1a9: {  	[sflag:s11] =	ssyncset.done $0x0  }
0x1aa: {  	[sflag:s11] =	ssyncadd.s32 $0xFFFFC000  }
0x1ab: {  	_ =	swait.ge [sflag:s11], $0x4000  }
0x1ac: {  	[sflag:s11] =	ssyncset.done $0x0  }
0x1ad: {  	s22 =	rddreg [dreg:$0x10];
	[sflag:s11] =	ssyncadd.s32 $0xFFFFC000  }
0x1ae: {  	[hbm4b:s22+s1] =	stream.linear.scatter [tilespmem:s9], [sflag:$0x3], $0x4000, $0x38;
	[tilespmem:$0x11C00] =	vst v63  }
0x1af: {  	s23 =	rddreg [dreg:$0x11]  }
0x1b0: {  	[hbm4b:s23+s1] =	stream.linear.scatter [tilespmem:s10], [sflag:$0x3], $0x4000, $0x38;
	[tilespmem:$0x11C00] =	vst v63  }
0x1b1: {  	_ =	swait.ge [sflag:s3], $0x4000  }
0x1b2: {  	[sflag:s3] =	ssyncset.done $0x0  }
0x1b3: {  	[sflag:s3] =	ssyncadd.s32 $0xFFFFC000  }
0x1b4: {  	_ =	swait.ge [sflag:s3], $0x4000  }
0x1b5: {  	[sflag:s3] =	ssyncset.done $0x0  }
0x1b6: {  	[sflag:s3] =	ssyncadd.s32 $0xFFFFC000  }
0x1b7: {  	[tilespmem:s5], [sflag:$0x2] =	stream.indirect.gather [spmem:s2], $0x80, s17, s7, $0xb8;
	[tilespmem:$0x11C00] =	vst v63  }
0x1b8: {  	_ = 	snop  }
0x1b9: {  	[tilespmem:s6], [sflag:$0x2] =	stream.indirect.gather [spmem:s2], $0x80, s18, s7, $0xb8;
	[tilespmem:$0x11C00] =	vst v63  }
0x1ba: {  	_ =	swait.ge [sflag:s8], $0x4000  }
0x1bb: {  	[sflag:s8] =	ssyncset.done $0x0  }
0x1bc: {  	[sflag:s8] =	ssyncadd.s32 $0xFFFFC000  }
0x1bd: {  	_ =	swait.ge [sflag:s8], $0x4000  }
0x1be: {  	[sflag:s8] =	ssyncset.done $0x0  }
0x1bf: {  	s24 =	rddreg [dreg:$0x12];
	[sflag:s8] =	ssyncadd.s32 $0xFFFFC000  }
0x1c0: {  	[hbm4b:s24+s1] =	stream.linear.scatter [tilespmem:s5], [sflag:$0x4], $0x4000, $0x38;
	[tilespmem:$0x11C00] =	vst v63  }
0x1c1: {  	s25 =	rddreg [dreg:$0x13]  }
0x1c2: {  	[hbm4b:s25+s1] =	stream.linear.scatter [tilespmem:s6], [sflag:$0x4], $0x4000, $0x38;
	[tilespmem:$0x11C00] =	vst v63  }
0x1c3: {  	_ =	swait.ge [sflag:s4], $0x4000  }
0x1c4: {  	[sflag:s4] =	ssyncset.done $0x0  }
0x1c5: {  	[sflag:s4] =	ssyncadd.s32 $0xFFFFC000  }
0x1c6: {  	_ =	swait.ge [sflag:s4], $0x4000  }
0x1c7: {  	[sflag:s4] =	ssyncset.done $0x0  }
0x1c8: {  	[sflag:s4] =	ssyncadd.s32 $0xFFFFC000  }
0x1c9: {  	[tilespmem:s9], [sflag:$0x1] =	stream.indirect.gather [spmem:s2], $0x80, s15, s7, $0xb8;
	[tilespmem:$0x11C00] =	vst v63  }
0x1ca: {  	_ = 	snop  }
0x1cb: {  	[tilespmem:s10], [sflag:$0x1] =	stream.indirect.gather [spmem:s2], $0x80, s16, s7, $0xb8;
	[tilespmem:$0x11C00] =	vst v63  }
0x1cc: {  	_ =	swait.ge [sflag:s11], $0x4000  }
0x1cd: {  	[sflag:s11] =	ssyncset.done $0x0  }
0x1ce: {  	[sflag:s11] =	ssyncadd.s32 $0xFFFFC000  }
0x1cf: {  	_ =	swait.ge [sflag:s11], $0x4000  }
0x1d0: {  	[sflag:s11] =	ssyncset.done $0x0  }
0x1d1: {  	s26 =	rddreg [dreg:$0x14];
	[sflag:s11] =	ssyncadd.s32 $0xFFFFC000  }
0x1d2: {  	[hbm4b:s26+s1] =	stream.linear.scatter [tilespmem:s9], [sflag:$0x3], $0x4000, $0x38;
	[tilespmem:$0x11C00] =	vst v63  }
0x1d3: {  	s28 =	rddreg [dreg:$0x15]  }
0x1d4: {  	[hbm4b:s28+s1] =	stream.linear.scatter [tilespmem:s10], [sflag:$0x3], $0x4000, $0x38;
	[tilespmem:$0x11C00] =	vst v63  }
0x1d5: {  	_ =	swait.ge [sflag:s3], $0x4000  }
0x1d6: {  	[sflag:s3] =	ssyncset.done $0x0  }
0x1d7: {  	[sflag:s3] =	ssyncadd.s32 $0xFFFFC000  }
0x1d8: {  	_ =	swait.ge [sflag:s3], $0x4000  }
0x1d9: {  	[sflag:s3] =	ssyncset.done $0x0  }
0x1da: {  	[sflag:s3] =	ssyncadd.s32 $0xFFFFC000  }
0x1db: {  	[tilespmem:s5], [sflag:$0x2] =	stream.indirect.gather [spmem:s2], $0x80, s13, s7, $0xb8;
	[tilespmem:$0x11C00] =	vst v63  }
0x1dc: {  	_ = 	snop  }
0x1dd: {  	[tilespmem:s6], [sflag:$0x2] =	stream.indirect.gather [spmem:s2], $0x80, s14, s7, $0xb8;
	[tilespmem:$0x11C00] =	vst v63  }
0x1de: {  	_ =	swait.ge [sflag:s8], $0x4000  }
0x1df: {  	[sflag:s8] =	ssyncset.done $0x0  }
0x1e0: {  	[sflag:s8] =	ssyncadd.s32 $0xFFFFC000  }
0x1e1: {  	_ =	swait.ge [sflag:s8], $0x4000  }
0x1e2: {  	[sflag:s8] =	ssyncset.done $0x0  }
0x1e3: {  	s30 =	rddreg [dreg:$0x8];
	[sflag:s8] =	ssyncadd.s32 $0xFFFFC000  }
0x1e4: {  	[hbm4b:s30+s1] =	stream.linear.scatter [tilespmem:s5], [sflag:$0x4], $0x4000, $0x38;
	[tilespmem:$0x11C00] =	vst v63  }
0x1e5: {  	s31 =	rddreg [dreg:$0x9]  }
0x1e6: {  	[hbm4b:s31+s1] =	stream.linear.scatter [tilespmem:s6], [sflag:$0x4], $0x4000, $0x38;
	[tilespmem:$0x11C00] =	vst v63  }
0x1e7: {  	_ =	swait.ge [sflag:s4], $0x4000  }
0x1e8: {  	[sflag:s4] =	ssyncset.done $0x0  }
0x1e9: {  	[sflag:s4] =	ssyncadd.s32 $0xFFFFC000  }
0x1ea: {  	_ =	swait.ge [sflag:s4], $0x4000  }
0x1eb: {  	[sflag:s4] =	ssyncset.done $0x0  }
0x1ec: {  	[sflag:s4] =	ssyncadd.s32 $0xFFFFC000  }
0x1ed: {  	_ =	swait.ge [sflag:s3], $0x4000  }
0x1ee: {  	[sflag:s3] =	ssyncset.done $0x0  }
0x1ef: {  	[sflag:s3] =	ssyncadd.s32 $0xFFFFC000  }
0x1f0: {  	_ =	swait.ge [sflag:s3], $0x4000  }
0x1f1: {  	[sflag:s3] =	ssyncset.done $0x0  }
0x1f2: {  	[sflag:s3] =	ssyncadd.s32 $0xFFFFC000  }
0x1f3: {  	_ =	sfence.sel $0x180000  }
0x1f4: {  	[bflag:$0x0] =	sbarrier.arrive $0xFFFF  }
0x1f5: {  	_ =	strace $0x90000047  }
0x1f6: {  	s0 =	sadd.s32 @!p0 $0x100000, s29;
	[bflag:$0x2] =	sbarrier.arrive $0xFFFF  }
0x1f7: {  	[sflag:s0] =	ssyncadd.tile.s32 @!p0 $0x1;
	_ =	shalt  }
.LBB2_1:
.Ltmp3:
0x1f8: {  	s30 =	simm.s32 $0x180;
	s25 =	simm.s32 $0x100;
	(pc) =	sbr.rel .LBB2_6-.Ltmp3, $4  }
0x1f9: {  	s24 =	simm.s32 $0x280;
	s23 =	simm.s32 $0x200;
	s22 =	simm.s32 $0x380  }
0x1fa: {  	s21 =	simm.s32 $0x300;
	s20 =	simm.s32 $0x480;
	s19 =	simm.s32 $0x400  }
0x1fb: {  	s18 =	simm.s32 $0x580;
	s17 =	simm.s32 $0x500;
	s16 =	simm.s32 $0x680  }
0x1fc: {  	s15 =	simm.s32 $0x600;
	s14 =	simm.s32 $0x780;
	s13 =	simm.s32 $0x700  }
.LBB2_3:
0x1fd: {  	s30 =	simm.s32 $0x180  }
.Ltmp4:
0x1fe: {  	s25 =	simm.s32 $0x100;
	s24 =	simm.s32 $0x280;
	(pc) =	sbr.rel .LBB2_6-.Ltmp4, $4  }
0x1ff: {  	s23 =	simm.s32 $0x200;
	s22 =	simm.s32 $0x380;
	s21 =	simm.s32 $0x300  }
0x200: {  	s20 =	simm.s32 $0x480;
	s19 =	simm.s32 $0x400;
	s18 =	simm.s32 $0x580  }
0x201: {  	s17 =	simm.s32 $0x500;
	s16 =	simm.s32 $0x680;
	s15 =	simm.s32 $0x600  }
0x202: {  	s14 =	simm.s32 $0x780;
	s13 =	simm.s32 $0x700;
	s29 =	rddreg [dreg:$0x3]  }
.Lfunc_end2:
_tile_overlayer_lowered:
.L_overlay_start_2:
0x203: {  	(tag) =	ssettag $0x2  }
0x204: {  	s0 =	rddreg [dreg:$0x0];
	s2 =	stileid.u32  }
0x205: {  	s1 =	rddreg [dreg:$0x1];
	p0 =	sne.s32 s2, $0x0  }
0x206: {  	s3 =	rddreg [dreg:$0x2];
	[bflag:$0x3] =	sbarrier.arrive $0xFFFF;
	s2 =	simm.s32 @!p0 $0x1C05  }
0x207: {  	[timem:s3], [sflag:s2] =	dma.local @!p0 [hbm:s0], s1  }
0x208: {  	s0 =	simm.s32 @!p0 $0x5  }
0x209: {  	_ =	swait.ge @!p0 [sflag:s0], s1  }
0x20a: {  	s1 =	ssub.s32 @!p0 $0x0, s1;
	[sflag:s0] =	ssyncset.done @!p0 $0x0  }
0x20b: {  	[sflag:s0] =	ssyncadd.s32 @!p0 s1  }
0x20c: {  	[bflag:$0x3] =	sbarrier.arrive $0xFFFF  }
0x20d: {  	_ =	shalt  }

</sc_bundles>
